<compile_context>
chip_gen: v7x
topology: tpu7x:2x2x1
jax: 0.10.2.dev20260603
libtpu: 0.0.44.dev20260713+nightly
codegen_flags: <defaults>
</compile_context>

<pallas_src>
import jax
import jax.numpy as jnp
from jax import lax
from jax.experimental import pallas as pl
from jax.experimental.pallas import tpu as pltpu
from jax.experimental.pallas import tpu_sc as plsc

N_VOCAB = 49408
D = 768
T = 77
BATCH = 1024
B = BATCH * T

NC = 2
NS = 16
NW = NC * NS
BPW = B // NW
CH = 32
NCH = BPW // CH
LANES = 16
KREG = D // LANES
KB = 8
NBUF = 4
AHEAD = 2


def _body(tokT_hbm, table_hbm, posw_hbm, out_hbm, idx_v, pos_v, rows_v,
          sem_i, sem_p, sem_g, sem_o):
    cid = lax.axis_index("c")
    sid = lax.axis_index("s")
    wid = sid * NC + cid
    base = wid * BPW
    tlo = base // BATCH

    cp_i = pltpu.make_async_copy(tokT_hbm.at[pl.ds(base, BPW)], idx_v, sem_i)
    cp_i.start()
    poff = pl.multiple_of(wid * 8, 8)
    cp_p = pltpu.make_async_copy(posw_hbm.at[pl.ds(poff, 8)], pos_v, sem_p)
    cp_p.start()
    cp_i.wait()
    cp_p.wait()

    def gather(j, slot):
        pltpu.make_async_copy(
            table_hbm.at[idx_v.at[pl.ds(j * CH, CH)]],
            rows_v.at[slot], sem_g.at[slot]).start()

    for j in range(AHEAD):
        gather(j, j % NBUF)

    def out_copy(slot, b0, t):
        return pltpu.make_async_copy(
            rows_v.at[slot], out_hbm.at[t, pl.ds(b0, CH)], sem_o.at[slot])

    def chunk_body(j, _):
        slot = lax.rem(j, NBUF)
        g = base + j * CH
        t = g // BATCH
        b0 = lax.rem(g, BATCH)

        pltpu.make_async_copy(
            table_hbm.at[idx_v.at[pl.ds(j * CH, CH)]],
            rows_v.at[slot], sem_g.at[slot]).wait()

        tl = t - tlo
        for kb in range(KREG // KB):
            pv = [pos_v[tl, pl.ds((kb * KB + k) * LANES, LANES)]
                  for k in range(KB)]

            def row_body(r, c):
                for k in range(KB):
                    plsc.addupdate(
                        rows_v.at[slot, r, pl.ds((kb * KB + k) * LANES, LANES)],
                        pv[k])
                return c

            lax.fori_loop(0, CH, row_body, 0, unroll=2)

        out_copy(slot, b0, t).start()

        nj = j + AHEAD

        @pl.when(nj < NCH)
        def _():
            nslot = lax.rem(nj, NBUF)

            @pl.when(nj >= NBUF)
            def _():
                out_copy(nslot, 0, 0).wait()

            gather(nj, nslot)

        return 0

    lax.fori_loop(0, NCH, chunk_body, 0, unroll=False)

    for b in range(NBUF):
        out_copy(jnp.int32(b), 0, 0).wait()


def _emb(tokT, table, posw):
    kfn = pl.kernel(
        _body,
        out_type=jax.ShapeDtypeStruct((T, BATCH, D), jnp.float32),
        mesh=plsc.VectorSubcoreMesh(core_axis_name="c", subcore_axis_name="s"),
        scratch_types=[
            pltpu.VMEM((BPW,), jnp.int32),
            pltpu.VMEM((8, D), jnp.float32),
            pltpu.VMEM((NBUF, CH, D), jnp.float32),
            pltpu.SemaphoreType.DMA,
            pltpu.SemaphoreType.DMA,
            pltpu.SemaphoreType.DMA((NBUF,)),
            pltpu.SemaphoreType.DMA((NBUF,)),
        ],
    )
    return kfn(tokT, table, posw)


def kernel(token, token_embedding, pos_embedding):
    tokT = token.T.reshape(-1).astype(jnp.int32)
    tlo = (jnp.arange(NW, dtype=jnp.int32) * BPW) // BATCH
    ridx = jnp.minimum(tlo[:, None] + jnp.arange(8, dtype=jnp.int32)[None, :],
                       T - 1).reshape(-1)
    posw = pos_embedding[ridx]
    return jnp.transpose(_emb(tokT, token_embedding, posw), (1, 0, 2))

# --- scband reference (transcript-rebuilt; emitter-appended) ---
"""Pipeline reference for scband-clipembedding-30502857736446 (READ-ONLY COPY).

The authoritative reference and input builder live on the scoring server;
editing this copy changes nothing except your own understanding.
"""

import jax, jax.numpy as jnp
import numpy as np

N_VOCAB = 49408
N_EMBED = 768
N_TOKEN = 77
BATCH = 1024


def setup_inputs(seed: int = 0) -> dict:
    key = jax.random.key(seed)
    k1, k2, k3 = jax.random.split(key, 3)
    token = jax.random.randint(k1, (BATCH, N_TOKEN), 0, N_VOCAB, dtype=jnp.int64 if jax.config.jax_enable_x64 else jnp.int32)
    token_embedding = jax.random.normal(k2, (N_VOCAB, N_EMBED), dtype=jnp.float32) * 0.02
    # pos_embedding initialized to zeros in the torch module; use small random to make it nontrivial?
    # Stay faithful to torch init: zeros.
    pos_embedding = jnp.zeros((N_TOKEN, N_EMBED), dtype=jnp.float32)
    return {"token": token, "token_embedding": token_embedding, "pos_embedding": pos_embedding}


def reference(token, token_embedding, pos_embedding):
    # x = self.token_embedding(token)
    x = jnp.take(token_embedding, token, axis=0)  # [B, T, D]
    # x += self.pos_embedding (broadcast over batch)
    x = x + pos_embedding[None, :, :]
    return x

if __name__ == "__main__":
    import jax
    _d = setup_inputs()
    print(jax.jit(kernel)(*tuple(_d.values())))

</pallas_src>

<mosaic_0001>
#map = affine_map<(d0, d1) -> (0)>
#map1 = affine_map<(d0, d1) -> (0, 0)>
#map2 = affine_map<(d0, d1) -> (0, 0, 0)>
module attributes {stable_mosaic.version = 14 : i64} {
  func.func @_body(%arg0: i32, %arg1: i32, %arg2: memref<78848xi32, #tpu.memory_space<hbm>>, %arg3: memref<49408x768xf32, #tpu.memory_space<hbm>>, %arg4: memref<256x768xf32, #tpu.memory_space<hbm>>, %arg5: memref<77x1024x768xf32, #tpu.memory_space<hbm>>, %arg6: memref<2464xi32, #tpu.memory_space<vmem>>, %arg7: memref<8x768xf32, #tpu.memory_space<vmem>>, %arg8: memref<4x32x768xf32, #tpu.memory_space<vmem>>, %arg9: memref<!tpu.dma_semaphore, #tpu.memory_space<semaphore_mem>>, %arg10: memref<!tpu.dma_semaphore, #tpu.memory_space<semaphore_mem>>, %arg11: memref<4x!tpu.dma_semaphore, #tpu.memory_space<semaphore_mem>>, %arg12: memref<4x!tpu.dma_semaphore, #tpu.memory_space<semaphore_mem>>) attributes {dimension_semantics = [#tpu.dimension_semantics<core_parallel>, #tpu.dimension_semantics<subcore_parallel>], iteration_bounds = array<i64: 2, 16>, scalar_prefetch = 0 : i64, scratch_operands = 7 : i64, tpu.core_type = #tpu.core_type<sc_vector_subcore>, window_params = [{transform_indices = #map}, {transform_indices = #map1}, {transform_indices = #map1}, {transform_indices = #map2}]} {
    %mul3A = arith.constant 2 : i32
    %mul3A_0 = arith.muli %arg1, %mul3A : i32
    %add3A = arith.addi %mul3A_0, %arg0 : i32
    %mul3A_1 = arith.constant 2464 : i32
    %mul3A_2 = arith.muli %add3A, %mul3A_1 : i32
    %jit3A = arith.constant 1024 : i32
    %div3A = arith.divsi %mul3A_2, %jit3A : i32
    %sign3A = arith.constant 0 : i32
    %sign3A_3 = arith.cmpi sgt, %mul3A_2, %sign3A : i32
    %sign3A_4 = arith.extui %sign3A_3 : i1 to i32
    %sign3A_5 = arith.constant 0 : i32
    %sign3A_6 = arith.cmpi slt, %mul3A_2, %sign3A_5 : i32
    %sign3A_7 = arith.extui %sign3A_6 : i1 to i32
    %sign3A_8 = arith.subi %sign3A_4, %sign3A_7 : i32
    %sign3A_9 = arith.constant 0 : i32
    %sign3A_10 = arith.cmpi sgt, %jit3A, %sign3A_9 : i32
    %sign3A_11 = arith.extui %sign3A_10 : i1 to i32
    %sign3A_12 = arith.constant 0 : i32
    %sign3A_13 = arith.cmpi slt, %jit3A, %sign3A_12 : i32
    %sign3A_14 = arith.extui %sign3A_13 : i1 to i32
    %sign3A_15 = arith.subi %sign3A_11, %sign3A_14 : i32
    %ne3A = arith.cmpi ne, %sign3A_8, %sign3A_15 : i32
    %rem3A = arith.remsi %mul3A_2, %jit3A : i32
    %ne3A_16 = arith.constant 0 : i32
    %ne3A_17 = arith.cmpi ne, %rem3A, %ne3A_16 : i32
    %and3A = arith.andi %ne3A, %ne3A_17 : i1
    %sub3A = arith.constant 1 : i32
    %sub3A_18 = arith.subi %div3A, %sub3A : i32
    %select_n3A = arith.select %and3A, %sub3A_18, %div3A : i32
    %dma_start3A = tpu.memref_slice %arg2[%mul3A_2] : memref<78848xi32, #tpu.memory_space<hbm>> -> memref<2464xi32, #tpu.memory_space<hbm>>
    %dma_start3A_19 = tpu.memref_slice %arg2[%mul3A_2] : memref<78848xi32, #tpu.memory_space<hbm>> -> memref<2464xi32, #tpu.memory_space<hbm>>
    tpu.enqueue_dma source(%dma_start3A_19 : memref<2464xi32, #tpu.memory_space<hbm>>) target(%arg6 : memref<2464xi32, #tpu.memory_space<vmem>>) target_semaphore(%arg9 : memref<!tpu.dma_semaphore, #tpu.memory_space<semaphore_mem>>)
    %mul3A_20 = arith.constant 8 : i32
    %mul3A_21 = arith.muli %add3A, %mul3A_20 : i32
    %multiple_of3A = tpu.assume_multiple %mul3A_21, 8 : i32
    %dma_start3A_22 = arith.constant 0 : i32
    %dma_start3A_23 = tpu.memref_slice %arg4[%multiple_of3A, %dma_start3A_22] : memref<256x768xf32, #tpu.memory_space<hbm>> -> memref<8x768xf32, #tpu.memory_space<hbm>>
    %dma_start3A_24 = arith.constant 0 : i32
    %dma_start3A_25 = tpu.memref_slice %arg4[%multiple_of3A, %dma_start3A_24] : memref<256x768xf32, #tpu.memory_space<hbm>> -> memref<8x768xf32, #tpu.memory_space<hbm>>
    tpu.enqueue_dma source(%dma_start3A_25 : memref<8x768xf32, #tpu.memory_space<hbm>>) target(%arg7 : memref<8x768xf32, #tpu.memory_space<vmem>>) target_semaphore(%arg10 : memref<!tpu.dma_semaphore, #tpu.memory_space<semaphore_mem>>)
    %dma_wait3A = tpu.memref_slice %arg2[%mul3A_2] : memref<78848xi32, #tpu.memory_space<hbm>> -> memref<2464xi32, #tpu.memory_space<hbm>>
    %dma_wait3A_26 = tpu.memref_slice %arg2[%mul3A_2] : memref<78848xi32, #tpu.memory_space<hbm>> -> memref<2464xi32, #tpu.memory_space<hbm>>
    tpu.wait_dma2 semaphore(%arg9 : memref<!tpu.dma_semaphore, #tpu.memory_space<semaphore_mem>>) src(%dma_wait3A_26 : memref<2464xi32, #tpu.memory_space<hbm>>) dst(%arg6 : memref<2464xi32, #tpu.memory_space<vmem>>)
    %dma_wait3A_27 = arith.constant 0 : i32
    %dma_wait3A_28 = tpu.memref_slice %arg4[%multiple_of3A, %dma_wait3A_27] : memref<256x768xf32, #tpu.memory_space<hbm>> -> memref<8x768xf32, #tpu.memory_space<hbm>>
    %dma_wait3A_29 = arith.constant 0 : i32
    %dma_wait3A_30 = tpu.memref_slice %arg4[%multiple_of3A, %dma_wait3A_29] : memref<256x768xf32, #tpu.memory_space<hbm>> -> memref<8x768xf32, #tpu.memory_space<hbm>>
    tpu.wait_dma2 semaphore(%arg10 : memref<!tpu.dma_semaphore, #tpu.memory_space<semaphore_mem>>) src(%dma_wait3A_30 : memref<8x768xf32, #tpu.memory_space<hbm>>) dst(%arg7 : memref<8x768xf32, #tpu.memory_space<vmem>>)
    %dma_start3A_31 = arith.constant 0 : i32
    %dma_start3A_32 = arith.constant 0 : i32
    %dma_start3A_33 = arith.constant 0 : i32
    %dma_start3A_34 = arith.constant 0 : i32
    %dma_start3A_35 = tpu.memref_slice %arg8[%dma_start3A_31, %dma_start3A_33, %dma_start3A_34] : memref<4x32x768xf32, #tpu.memory_space<vmem>> -> memref<1x32x768xf32, #tpu.memory_space<vmem>>
    %dma_start3A_36 = tpu.memref_squeeze %dma_start3A_35 : memref<1x32x768xf32, #tpu.memory_space<vmem>> -> memref<32x768xf32, #tpu.memory_space<vmem>>
    %dma_start3A_37 = arith.constant 0 : i32
    %dma_start3A_38 = tpu.memref_slice %arg6[%dma_start3A_37] : memref<2464xi32, #tpu.memory_space<vmem>> -> memref<32xi32, #tpu.memory_space<vmem>>
    %dma_start3A_39 = arith.constant 0 : i32
    %dma_start3A_40 = arith.constant 0 : i32
    %dma_start3A_41 = tpu.memref_slice %arg3[%dma_start3A_39, %dma_start3A_40] : memref<49408x768xf32, #tpu.memory_space<hbm>> -> memref<49408x768xf32, #tpu.memory_space<hbm>>
    %dma_start3A_42 = tpu.memref_slice %arg11[%dma_start3A_32] : memref<4x!tpu.dma_semaphore, #tpu.memory_space<semaphore_mem>> -> memref<1x!tpu.dma_semaphore, #tpu.memory_space<semaphore_mem>>
    %dma_start3A_43 = tpu.memref_squeeze %dma_start3A_42 : memref<1x!tpu.dma_semaphore, #tpu.memory_space<semaphore_mem>> -> memref<!tpu.dma_semaphore, #tpu.memory_space<semaphore_mem>>
    tpu.enqueue_indirect_dma source(%dma_start3A_41 : memref<49408x768xf32, #tpu.memory_space<hbm>>) target(%dma_start3A_36 : memref<32x768xf32, #tpu.memory_space<vmem>>) offsets(%dma_start3A_38 : memref<32xi32, #tpu.memory_space<vmem>>) semaphore(%dma_start3A_43 : memref<!tpu.dma_semaphore, #tpu.memory_space<semaphore_mem>>)
    %dma_start3A_44 = arith.constant 1 : i32
    %dma_start3A_45 = arith.constant 1 : i32
    %dma_start3A_46 = arith.constant 0 : i32
    %dma_start3A_47 = arith.constant 0 : i32
    %dma_start3A_48 = tpu.memref_slice %arg8[%dma_start3A_44, %dma_start3A_46, %dma_start3A_47] : memref<4x32x768xf32, #tpu.memory_space<vmem>> -> memref<1x32x768xf32, #tpu.memory_space<vmem>>
    %dma_start3A_49 = tpu.memref_squeeze %dma_start3A_48 : memref<1x32x768xf32, #tpu.memory_space<vmem>> -> memref<32x768xf32, #tpu.memory_space<vmem>>
    %dma_start3A_50 = arith.constant 32 : i32
    %dma_start3A_51 = tpu.memref_slice %arg6[%dma_start3A_50] : memref<2464xi32, #tpu.memory_space<vmem>> -> memref<32xi32, #tpu.memory_space<vmem>>
    %dma_start3A_52 = arith.constant 0 : i32
    %dma_start3A_53 = arith.constant 0 : i32
    %dma_start3A_54 = tpu.memref_slice %arg3[%dma_start3A_52, %dma_start3A_53] : memref<49408x768xf32, #tpu.memory_space<hbm>> -> memref<49408x768xf32, #tpu.memory_space<hbm>>
    %dma_start3A_55 = tpu.memref_slice %arg11[%dma_start3A_45] : memref<4x!tpu.dma_semaphore, #tpu.memory_space<semaphore_mem>> -> memref<1x!tpu.dma_semaphore, #tpu.memory_space<semaphore_mem>>
    %dma_start3A_56 = tpu.memref_squeeze %dma_start3A_55 : memref<1x!tpu.dma_semaphore, #tpu.memory_space<semaphore_mem>> -> memref<!tpu.dma_semaphore, #tpu.memory_space<semaphore_mem>>
    tpu.enqueue_indirect_dma source(%dma_start3A_54 : memref<49408x768xf32, #tpu.memory_space<hbm>>) target(%dma_start3A_49 : memref<32x768xf32, #tpu.memory_space<vmem>>) offsets(%dma_start3A_51 : memref<32xi32, #tpu.memory_space<vmem>>) semaphore(%dma_start3A_56 : memref<!tpu.dma_semaphore, #tpu.memory_space<semaphore_mem>>)
    %scan3A = arith.constant 0 : i32
    %scan3A_57 = arith.constant 0 : i32
    %scan3A_58 = arith.constant 77 : i32
    %scan3A_59 = arith.addi %scan3A_57, %scan3A_58 : i32
    %scan3A_60 = arith.constant 1 : i32
    %scan3A_61 = scf.for %scan3A_147 = %scan3A_57 to %scan3A_59 step %scan3A_60 iter_args(%scan3A_148 = %scan3A) -> (i32)  : i32 {
      %rem3A_149 = arith.constant 4 : i32
      %rem3A_150 = arith.remsi %scan3A_147, %rem3A_149 : i32
      %mul3A_151 = arith.constant 32 : i32
      %mul3A_152 = arith.muli %scan3A_147, %mul3A_151 : i32
      %add3A_153 = arith.addi %mul3A_2, %mul3A_152 : i32
      %jit3A_154 = arith.constant 1024 : i32
      %div3A_155 = arith.divsi %add3A_153, %jit3A_154 : i32
      %sign3A_156 = arith.constant 0 : i32
      %sign3A_157 = arith.cmpi sgt, %add3A_153, %sign3A_156 : i32
      %sign3A_158 = arith.extui %sign3A_157 : i1 to i32
      %sign3A_159 = arith.constant 0 : i32
      %sign3A_160 = arith.cmpi slt, %add3A_153, %sign3A_159 : i32
      %sign3A_161 = arith.extui %sign3A_160 : i1 to i32
      %sign3A_162 = arith.subi %sign3A_158, %sign3A_161 : i32
      %sign3A_163 = arith.constant 0 : i32
      %sign3A_164 = arith.cmpi sgt, %jit3A_154, %sign3A_163 : i32
      %sign3A_165 = arith.extui %sign3A_164 : i1 to i32
      %sign3A_166 = arith.constant 0 : i32
      %sign3A_167 = arith.cmpi slt, %jit3A_154, %sign3A_166 : i32
      %sign3A_168 = arith.extui %sign3A_167 : i1 to i32
      %sign3A_169 = arith.subi %sign3A_165, %sign3A_168 : i32
      %ne3A_170 = arith.cmpi ne, %sign3A_162, %sign3A_169 : i32
      %rem3A_171 = arith.remsi %add3A_153, %jit3A_154 : i32
      %ne3A_172 = arith.constant 0 : i32
      %ne3A_173 = arith.cmpi ne, %rem3A_171, %ne3A_172 : i32
      %and3A_174 = arith.andi %ne3A_170, %ne3A_173 : i1
      %sub3A_175 = arith.constant 1 : i32
      %sub3A_176 = arith.subi %div3A_155, %sub3A_175 : i32
      %select_n3A_177 = arith.select %and3A_174, %sub3A_176, %div3A_155 : i32
      %rem3A_178 = arith.constant 1024 : i32
      %rem3A_179 = arith.remsi %add3A_153, %rem3A_178 : i32
      %mul3A_180 = arith.constant 32 : i32
      %mul3A_181 = arith.muli %scan3A_147, %mul3A_180 : i32
      %dma_wait3A_182 = arith.constant 0 : i32
      %dma_wait3A_183 = arith.constant 0 : i32
      %dma_wait3A_184 = tpu.memref_slice %arg8[%rem3A_150, %dma_wait3A_182, %dma_wait3A_183] : memref<4x32x768xf32, #tpu.memory_space<vmem>> -> memref<1x32x768xf32, #tpu.memory_space<vmem>>
      %dma_wait3A_185 = tpu.memref_squeeze %dma_wait3A_184 : memref<1x32x768xf32, #tpu.memory_space<vmem>> -> memref<32x768xf32, #tpu.memory_space<vmem>>
      %dma_wait3A_186 = tpu.memref_slice %arg6[%mul3A_181] : memref<2464xi32, #tpu.memory_space<vmem>> -> memref<32xi32, #tpu.memory_space<vmem>>
      %dma_wait3A_187 = arith.constant 0 : i32
      %dma_wait3A_188 = arith.constant 0 : i32
      %dma_wait3A_189 = tpu.memref_slice %arg3[%dma_wait3A_187, %dma_wait3A_188] : memref<49408x768xf32, #tpu.memory_space<hbm>> -> memref<49408x768xf32, #tpu.memory_space<hbm>>
      %dma_wait3A_190 = tpu.memref_slice %arg11[%rem3A_150] : memref<4x!tpu.dma_semaphore, #tpu.memory_space<semaphore_mem>> -> memref<1x!tpu.dma_semaphore, #tpu.memory_space<semaphore_mem>>
      %dma_wait3A_191 = tpu.memref_squeeze %dma_wait3A_190 : memref<1x!tpu.dma_semaphore, #tpu.memory_space<semaphore_mem>> -> memref<!tpu.dma_semaphore, #tpu.memory_space<semaphore_mem>>
      tpu.wait_indirect_dma semaphore(%dma_wait3A_191 : memref<!tpu.dma_semaphore, #tpu.memory_space<semaphore_mem>>) src(%dma_wait3A_189 : memref<49408x768xf32, #tpu.memory_space<hbm>>) dst(%dma_wait3A_185 : memref<32x768xf32, #tpu.memory_space<vmem>>)
      %sub3A_192 = arith.subi %select_n3A_177, %select_n3A : i32
      %get3A = arith.index_cast %sub3A_192 : i32 to index
      %get3A_193 = arith.constant 0 : index
      %get3A_194 = tpu.vector_load %arg7[%get3A, %get3A_193] {strides = array<i32>} : memref<8x768xf32, #tpu.memory_space<vmem>>, vector<1x16xf32>,
      %get3A_195 = vector.shape_cast %get3A_194 : vector<1x16xf32> to vector<16xf32>
      %get3A_196 = arith.index_cast %sub3A_192 : i32 to index
      %get3A_197 = arith.constant 16 : index
      %get3A_198 = tpu.vector_load %arg7[%get3A_196, %get3A_197] {strides = array<i32>} : memref<8x768xf32, #tpu.memory_space<vmem>>, vector<1x16xf32>,
      %get3A_199 = vector.shape_cast %get3A_198 : vector<1x16xf32> to vector<16xf32>
      %get3A_200 = arith.index_cast %sub3A_192 : i32 to index
      %get3A_201 = arith.constant 32 : index
      %get3A_202 = tpu.vector_load %arg7[%get3A_200, %get3A_201] {strides = array<i32>} : memref<8x768xf32, #tpu.memory_space<vmem>>, vector<1x16xf32>,
      %get3A_203 = vector.shape_cast %get3A_202 : vector<1x16xf32> to vector<16xf32>
      %get3A_204 = arith.index_cast %sub3A_192 : i32 to index
      %get3A_205 = arith.constant 48 : index
      %get3A_206 = tpu.vector_load %arg7[%get3A_204, %get3A_205] {strides = array<i32>} : memref<8x768xf32, #tpu.memory_space<vmem>>, vector<1x16xf32>,
      %get3A_207 = vector.shape_cast %get3A_206 : vector<1x16xf32> to vector<16xf32>
      %get3A_208 = arith.index_cast %sub3A_192 : i32 to index
      %get3A_209 = arith.constant 64 : index
      %get3A_210 = tpu.vector_load %arg7[%get3A_208, %get3A_209] {strides = array<i32>} : memref<8x768xf32, #tpu.memory_space<vmem>>, vector<1x16xf32>,
      %get3A_211 = vector.shape_cast %get3A_210 : vector<1x16xf32> to vector<16xf32>
      %get3A_212 = arith.index_cast %sub3A_192 : i32 to index
      %get3A_213 = arith.constant 80 : index
      %get3A_214 = tpu.vector_load %arg7[%get3A_212, %get3A_213] {strides = array<i32>} : memref<8x768xf32, #tpu.memory_space<vmem>>, vector<1x16xf32>,
      %get3A_215 = vector.shape_cast %get3A_214 : vector<1x16xf32> to vector<16xf32>
      %get3A_216 = arith.index_cast %sub3A_192 : i32 to index
      %get3A_217 = arith.constant 96 : index
      %get3A_218 = tpu.vector_load %arg7[%get3A_216, %get3A_217] {strides = array<i32>} : memref<8x768xf32, #tpu.memory_space<vmem>>, vector<1x16xf32>,
      %get3A_219 = vector.shape_cast %get3A_218 : vector<1x16xf32> to vector<16xf32>
      %get3A_220 = arith.index_cast %sub3A_192 : i32 to index
      %get3A_221 = arith.constant 112 : index
      %get3A_222 = tpu.vector_load %arg7[%get3A_220, %get3A_221] {strides = array<i32>} : memref<8x768xf32, #tpu.memory_space<vmem>>, vector<1x16xf32>,
      %get3A_223 = vector.shape_cast %get3A_222 : vector<1x16xf32> to vector<16xf32>
      %scan3A_224 = arith.constant 0 : i32
      %scan3A_225 = arith.constant 0 : i32
      %scan3A_226 = arith.constant 32 : i32
      %scan3A_227 = arith.addi %scan3A_225, %scan3A_226 : i32
      %scan3A_228 = arith.constant 2 : i32
      scf.for %scan3A_441 = %scan3A_225 to %scan3A_227 step %scan3A_228  : i32 {
        %swap3A = arith.index_cast %rem3A_150 : i32 to index
        %swap3A_442 = arith.index_cast %scan3A_441 : i32 to index
        %swap3A_443 = arith.constant 0 : index
        %swap3A_444 = tpu.vector_load %arg8[%swap3A, %swap3A_442, %swap3A_443] {strides = array<i32>} : memref<4x32x768xf32, #tpu.memory_space<vmem>>, vector<1x1x16xf32>,
        %swap3A_445 = vector.shape_cast %swap3A_444 : vector<1x1x16xf32> to vector<16xf32>
        %swap3A_446 = vector.shape_cast %get3A_195 : vector<16xf32> to vector<1x1x16xf32>
        tpu.vector_store %arg8[%swap3A, %swap3A_442, %swap3A_443], %swap3A_446 {add = true, strides = array<i32>} : memref<4x32x768xf32, #tpu.memory_space<vmem>>, vector<1x1x16xf32>,
        %swap3A_447 = arith.index_cast %rem3A_150 : i32 to index
        %swap3A_448 = arith.index_cast %scan3A_441 : i32 to index
        %swap3A_449 = arith.constant 16 : index
        %swap3A_450 = tpu.vector_load %arg8[%swap3A_447, %swap3A_448, %swap3A_449] {strides = array<i32>} : memref<4x32x768xf32, #tpu.memory_space<vmem>>, vector<1x1x16xf32>,
        %swap3A_451 = vector.shape_cast %swap3A_450 : vector<1x1x16xf32> to vector<16xf32>
        %swap3A_452 = vector.shape_cast %get3A_199 : vector<16xf32> to vector<1x1x16xf32>
        tpu.vector_store %arg8[%swap3A_447, %swap3A_448, %swap3A_449], %swap3A_452 {add = true, strides = array<i32>} : memref<4x32x768xf32, #tpu.memory_space<vmem>>, vector<1x1x16xf32>,
        %swap3A_453 = arith.index_cast %rem3A_150 : i32 to index
        %swap3A_454 = arith.index_cast %scan3A_441 : i32 to index
        %swap3A_455 = arith.constant 32 : index
        %swap3A_456 = tpu.vector_load %arg8[%swap3A_453, %swap3A_454, %swap3A_455] {strides = array<i32>} : memref<4x32x768xf32, #tpu.memory_space<vmem>>, vector<1x1x16xf32>,
        %swap3A_457 = vector.shape_cast %swap3A_456 : vector<1x1x16xf32> to vector<16xf32>
        %swap3A_458 = vector.shape_cast %get3A_203 : vector<16xf32> to vector<1x1x16xf32>
        tpu.vector_store %arg8[%swap3A_453, %swap3A_454, %swap3A_455], %swap3A_458 {add = true, strides = array<i32>} : memref<4x32x768xf32, #tpu.memory_space<vmem>>, vector<1x1x16xf32>,
        %swap3A_459 = arith.index_cast %rem3A_150 : i32 to index
        %swap3A_460 = arith.index_cast %scan3A_441 : i32 to index
        %swap3A_461 = arith.constant 48 : index
        %swap3A_462 = tpu.vector_load %arg8[%swap3A_459, %swap3A_460, %swap3A_461] {strides = array<i32>} : memref<4x32x768xf32, #tpu.memory_space<vmem>>, vector<1x1x16xf32>,
        %swap3A_463 = vector.shape_cast %swap3A_462 : vector<1x1x16xf32> to vector<16xf32>
        %swap3A_464 = vector.shape_cast %get3A_207 : vector<16xf32> to vector<1x1x16xf32>
        tpu.vector_store %arg8[%swap3A_459, %swap3A_460, %swap3A_461], %swap3A_464 {add = true, strides = array<i32>} : memref<4x32x768xf32, #tpu.memory_space<vmem>>, vector<1x1x16xf32>,
        %swap3A_465 = arith.index_cast %rem3A_150 : i32 to index
        %swap3A_466 = arith.index_cast %scan3A_441 : i32 to index
        %swap3A_467 = arith.constant 64 : index
        %swap3A_468 = tpu.vector_load %arg8[%swap3A_465, %swap3A_466, %swap3A_467] {strides = array<i32>} : memref<4x32x768xf32, #tpu.memory_space<vmem>>, vector<1x1x16xf32>,
        %swap3A_469 = vector.shape_cast %swap3A_468 : vector<1x1x16xf32> to vector<16xf32>
        %swap3A_470 = vector.shape_cast %get3A_211 : vector<16xf32> to vector<1x1x16xf32>
        tpu.vector_store %arg8[%swap3A_465, %swap3A_466, %swap3A_467], %swap3A_470 {add = true, strides = array<i32>} : memref<4x32x768xf32, #tpu.memory_space<vmem>>, vector<1x1x16xf32>,
        %swap3A_471 = arith.index_cast %rem3A_150 : i32 to index
        %swap3A_472 = arith.index_cast %scan3A_441 : i32 to index
        %swap3A_473 = arith.constant 80 : index
        %swap3A_474 = tpu.vector_load %arg8[%swap3A_471, %swap3A_472, %swap3A_473] {strides = array<i32>} : memref<4x32x768xf32, #tpu.memory_space<vmem>>, vector<1x1x16xf32>,
        %swap3A_475 = vector.shape_cast %swap3A_474 : vector<1x1x16xf32> to vector<16xf32>
        %swap3A_476 = vector.shape_cast %get3A_215 : vector<16xf32> to vector<1x1x16xf32>
        tpu.vector_store %arg8[%swap3A_471, %swap3A_472, %swap3A_473], %swap3A_476 {add = true, strides = array<i32>} : memref<4x32x768xf32, #tpu.memory_space<vmem>>, vector<1x1x16xf32>,
        %swap3A_477 = arith.index_cast %rem3A_150 : i32 to index
        %swap3A_478 = arith.index_cast %scan3A_441 : i32 to index
        %swap3A_479 = arith.constant 96 : index
        %swap3A_480 = tpu.vector_load %arg8[%swap3A_477, %swap3A_478, %swap3A_479] {strides = array<i32>} : memref<4x32x768xf32, #tpu.memory_space<vmem>>, vector<1x1x16xf32>,
        %swap3A_481 = vector.shape_cast %swap3A_480 : vector<1x1x16xf32> to vector<16xf32>
        %swap3A_482 = vector.shape_cast %get3A_219 : vector<16xf32> to vector<1x1x16xf32>
        tpu.vector_store %arg8[%swap3A_477, %swap3A_478, %swap3A_479], %swap3A_482 {add = true, strides = array<i32>} : memref<4x32x768xf32, #tpu.memory_space<vmem>>, vector<1x1x16xf32>,
        %swap3A_483 = arith.index_cast %rem3A_150 : i32 to index
        %swap3A_484 = arith.index_cast %scan3A_441 : i32 to index
        %swap3A_485 = arith.constant 112 : index
        %swap3A_486 = tpu.vector_load %arg8[%swap3A_483, %swap3A_484, %swap3A_485] {strides = array<i32>} : memref<4x32x768xf32, #tpu.memory_space<vmem>>, vector<1x1x16xf32>,
        %swap3A_487 = vector.shape_cast %swap3A_486 : vector<1x1x16xf32> to vector<16xf32>
        %swap3A_488 = vector.shape_cast %get3A_223 : vector<16xf32> to vector<1x1x16xf32>
        tpu.vector_store %arg8[%swap3A_483, %swap3A_484, %swap3A_485], %swap3A_488 {add = true, strides = array<i32>} : memref<4x32x768xf32, #tpu.memory_space<vmem>>, vector<1x1x16xf32>,
        %scan3A_489 = arith.constant 1 : i32
        %scan3A_490 = arith.addi %scan3A_441, %scan3A_489 : i32
        %swap3A_491 = arith.index_cast %rem3A_150 : i32 to index
        %swap3A_492 = arith.index_cast %scan3A_490 : i32 to index
        %swap3A_493 = arith.constant 0 : index
        %swap3A_494 = tpu.vector_load %arg8[%swap3A_491, %swap3A_492, %swap3A_493] {strides = array<i32>} : memref<4x32x768xf32, #tpu.memory_space<vmem>>, vector<1x1x16xf32>,
        %swap3A_495 = vector.shape_cast %swap3A_494 : vector<1x1x16xf32> to vector<16xf32>
        %swap3A_496 = vector.shape_cast %get3A_195 : vector<16xf32> to vector<1x1x16xf32>
        tpu.vector_store %arg8[%swap3A_491, %swap3A_492, %swap3A_493], %swap3A_496 {add = true, strides = array<i32>} : memref<4x32x768xf32, #tpu.memory_space<vmem>>, vector<1x1x16xf32>,
        %swap3A_497 = arith.index_cast %rem3A_150 : i32 to index
        %swap3A_498 = arith.index_cast %scan3A_490 : i32 to index
        %swap3A_499 = arith.constant 16 : index
        %swap3A_500 = tpu.vector_load %arg8[%swap3A_497, %swap3A_498, %swap3A_499] {strides = array<i32>} : memref<4x32x768xf32, #tpu.memory_space<vmem>>, vector<1x1x16xf32>,
        %swap3A_501 = vector.shape_cast %swap3A_500 : vector<1x1x16xf32> to vector<16xf32>
        %swap3A_502 = vector.shape_cast %get3A_199 : vector<16xf32> to vector<1x1x16xf32>
        tpu.vector_store %arg8[%swap3A_497, %swap3A_498, %swap3A_499], %swap3A_502 {add = true, strides = array<i32>} : memref<4x32x768xf32, #tpu.memory_space<vmem>>, vector<1x1x16xf32>,
        %swap3A_503 = arith.index_cast %rem3A_150 : i32 to index
        %swap3A_504 = arith.index_cast %scan3A_490 : i32 to index
        %swap3A_505 = arith.constant 32 : index
        %swap3A_506 = tpu.vector_load %arg8[%swap3A_503, %swap3A_504, %swap3A_505] {strides = array<i32>} : memref<4x32x768xf32, #tpu.memory_space<vmem>>, vector<1x1x16xf32>,
        %swap3A_507 = vector.shape_cast %swap3A_506 : vector<1x1x16xf32> to vector<16xf32>
        %swap3A_508 = vector.shape_cast %get3A_203 : vector<16xf32> to vector<1x1x16xf32>
        tpu.vector_store %arg8[%swap3A_503, %swap3A_504, %swap3A_505], %swap3A_508 {add = true, strides = array<i32>} : memref<4x32x768xf32, #tpu.memory_space<vmem>>, vector<1x1x16xf32>,
        %swap3A_509 = arith.index_cast %rem3A_150 : i32 to index
        %swap3A_510 = arith.index_cast %scan3A_490 : i32 to index
        %swap3A_511 = arith.constant 48 : index
        %swap3A_512 = tpu.vector_load %arg8[%swap3A_509, %swap3A_510, %swap3A_511] {strides = array<i32>} : memref<4x32x768xf32, #tpu.memory_space<vmem>>, vector<1x1x16xf32>,
        %swap3A_513 = vector.shape_cast %swap3A_512 : vector<1x1x16xf32> to vector<16xf32>
        %swap3A_514 = vector.shape_cast %get3A_207 : vector<16xf32> to vector<1x1x16xf32>
        tpu.vector_store %arg8[%swap3A_509, %swap3A_510, %swap3A_511], %swap3A_514 {add = true, strides = array<i32>} : memref<4x32x768xf32, #tpu.memory_space<vmem>>, vector<1x1x16xf32>,
        %swap3A_515 = arith.index_cast %rem3A_150 : i32 to index
        %swap3A_516 = arith.index_cast %scan3A_490 : i32 to index
        %swap3A_517 = arith.constant 64 : index
        %swap3A_518 = tpu.vector_load %arg8[%swap3A_515, %swap3A_516, %swap3A_517] {strides = array<i32>} : memref<4x32x768xf32, #tpu.memory_space<vmem>>, vector<1x1x16xf32>,
        %swap3A_519 = vector.shape_cast %swap3A_518 : vector<1x1x16xf32> to vector<16xf32>
        %swap3A_520 = vector.shape_cast %get3A_211 : vector<16xf32> to vector<1x1x16xf32>
        tpu.vector_store %arg8[%swap3A_515, %swap3A_516, %swap3A_517], %swap3A_520 {add = true, strides = array<i32>} : memref<4x32x768xf32, #tpu.memory_space<vmem>>, vector<1x1x16xf32>,
        %swap3A_521 = arith.index_cast %rem3A_150 : i32 to index
        %swap3A_522 = arith.index_cast %scan3A_490 : i32 to index
        %swap3A_523 = arith.constant 80 : index
        %swap3A_524 = tpu.vector_load %arg8[%swap3A_521, %swap3A_522, %swap3A_523] {strides = array<i32>} : memref<4x32x768xf32, #tpu.memory_space<vmem>>, vector<1x1x16xf32>,
        %swap3A_525 = vector.shape_cast %swap3A_524 : vector<1x1x16xf32> to vector<16xf32>
        %swap3A_526 = vector.shape_cast %get3A_215 : vector<16xf32> to vector<1x1x16xf32>
        tpu.vector_store %arg8[%swap3A_521, %swap3A_522, %swap3A_523], %swap3A_526 {add = true, strides = array<i32>} : memref<4x32x768xf32, #tpu.memory_space<vmem>>, vector<1x1x16xf32>,
        %swap3A_527 = arith.index_cast %rem3A_150 : i32 to index
        %swap3A_528 = arith.index_cast %scan3A_490 : i32 to index
        %swap3A_529 = arith.constant 96 : index
        %swap3A_530 = tpu.vector_load %arg8[%swap3A_527, %swap3A_528, %swap3A_529] {strides = array<i32>} : memref<4x32x768xf32, #tpu.memory_space<vmem>>, vector<1x1x16xf32>,
        %swap3A_531 = vector.shape_cast %swap3A_530 : vector<1x1x16xf32> to vector<16xf32>
        %swap3A_532 = vector.shape_cast %get3A_219 : vector<16xf32> to vector<1x1x16xf32>
        tpu.vector_store %arg8[%swap3A_527, %swap3A_528, %swap3A_529], %swap3A_532 {add = true, strides = array<i32>} : memref<4x32x768xf32, #tpu.memory_space<vmem>>, vector<1x1x16xf32>,
        %swap3A_533 = arith.index_cast %rem3A_150 : i32 to index
        %swap3A_534 = arith.index_cast %scan3A_490 : i32 to index
        %swap3A_535 = arith.constant 112 : index
        %swap3A_536 = tpu.vector_load %arg8[%swap3A_533, %swap3A_534, %swap3A_535] {strides = array<i32>} : memref<4x32x768xf32, #tpu.memory_space<vmem>>, vector<1x1x16xf32>,
        %swap3A_537 = vector.shape_cast %swap3A_536 : vector<1x1x16xf32> to vector<16xf32>
        %swap3A_538 = vector.shape_cast %get3A_223 : vector<16xf32> to vector<1x1x16xf32>
        tpu.vector_store %arg8[%swap3A_533, %swap3A_534, %swap3A_535], %swap3A_538 {add = true, strides = array<i32>} : memref<4x32x768xf32, #tpu.memory_space<vmem>>, vector<1x1x16xf32>,
      }
      %scan3A_229 = arith.constant 32 : i32
      %get3A_230 = arith.index_cast %sub3A_192 : i32 to index
      %get3A_231 = arith.constant 128 : index
      %get3A_232 = tpu.vector_load %arg7[%get3A_230, %get3A_231] {strides = array<i32>} : memref<8x768xf32, #tpu.memory_space<vmem>>, vector<1x16xf32>,
      %get3A_233 = vector.shape_cast %get3A_232 : vector<1x16xf32> to vector<16xf32>
      %get3A_234 = arith.index_cast %sub3A_192 : i32 to index
      %get3A_235 = arith.constant 144 : index
      %get3A_236 = tpu.vector_load %arg7[%get3A_234, %get3A_235] {strides = array<i32>} : memref<8x768xf32, #tpu.memory_space<vmem>>, vector<1x16xf32>,
      %get3A_237 = vector.shape_cast %get3A_236 : vector<1x16xf32> to vector<16xf32>
      %get3A_238 = arith.index_cast %sub3A_192 : i32 to index
      %get3A_239 = arith.constant 160 : index
      %get3A_240 = tpu.vector_load %arg7[%get3A_238, %get3A_239] {strides = array<i32>} : memref<8x768xf32, #tpu.memory_space<vmem>>, vector<1x16xf32>,
      %get3A_241 = vector.shape_cast %get3A_240 : vector<1x16xf32> to vector<16xf32>
      %get3A_242 = arith.index_cast %sub3A_192 : i32 to index
      %get3A_243 = arith.constant 176 : index
      %get3A_244 = tpu.vector_load %arg7[%get3A_242, %get3A_243] {strides = array<i32>} : memref<8x768xf32, #tpu.memory_space<vmem>>, vector<1x16xf32>,
      %get3A_245 = vector.shape_cast %get3A_244 : vector<1x16xf32> to vector<16xf32>
      %get3A_246 = arith.index_cast %sub3A_192 : i32 to index
      %get3A_247 = arith.constant 192 : index
      %get3A_248 = tpu.vector_load %arg7[%get3A_246, %get3A_247] {strides = array<i32>} : memref<8x768xf32, #tpu.memory_space<vmem>>, vector<1x16xf32>,
      %get3A_249 = vector.shape_cast %get3A_248 : vector<1x16xf32> to vector<16xf32>
      %get3A_250 = arith.index_cast %sub3A_192 : i32 to index
      %get3A_251 = arith.constant 208 : index
      %get3A_252 = tpu.vector_load %arg7[%get3A_250, %get3A_251] {strides = array<i32>} : memref<8x768xf32, #tpu.memory_space<vmem>>, vector<1x16xf32>,
      %get3A_253 = vector.shape_cast %get3A_252 : vector<1x16xf32> to vector<16xf32>
      %get3A_254 = arith.index_cast %sub3A_192 : i32 to index
      %get3A_255 = arith.constant 224 : index
      %get3A_256 = tpu.vector_load %arg7[%get3A_254, %get3A_255] {strides = array<i32>} : memref<8x768xf32, #tpu.memory_space<vmem>>, vector<1x16xf32>,
      %get3A_257 = vector.shape_cast %get3A_256 : vector<1x16xf32> to vector<16xf32>
      %get3A_258 = arith.index_cast %sub3A_192 : i32 to index
      %get3A_259 = arith.constant 240 : index
      %get3A_260 = tpu.vector_load %arg7[%get3A_258, %get3A_259] {strides = array<i32>} : memref<8x768xf32, #tpu.memory_space<vmem>>, vector<1x16xf32>,
      %get3A_261 = vector.shape_cast %get3A_260 : vector<1x16xf32> to vector<16xf32>
      %scan3A_262 = arith.constant 0 : i32
      %scan3A_263 = arith.constant 0 : i32
      %scan3A_264 = arith.constant 32 : i32
      %scan3A_265 = arith.addi %scan3A_263, %scan3A_264 : i32
      %scan3A_266 = arith.constant 2 : i32
      scf.for %scan3A_441 = %scan3A_263 to %scan3A_265 step %scan3A_266  : i32 {
        %swap3A = arith.index_cast %rem3A_150 : i32 to index
        %swap3A_442 = arith.index_cast %scan3A_441 : i32 to index
        %swap3A_443 = arith.constant 128 : index
        %swap3A_444 = tpu.vector_load %arg8[%swap3A, %swap3A_442, %swap3A_443] {strides = array<i32>} : memref<4x32x768xf32, #tpu.memory_space<vmem>>, vector<1x1x16xf32>,
        %swap3A_445 = vector.shape_cast %swap3A_444 : vector<1x1x16xf32> to vector<16xf32>
        %swap3A_446 = vector.shape_cast %get3A_233 : vector<16xf32> to vector<1x1x16xf32>
        tpu.vector_store %arg8[%swap3A, %swap3A_442, %swap3A_443], %swap3A_446 {add = true, strides = array<i32>} : memref<4x32x768xf32, #tpu.memory_space<vmem>>, vector<1x1x16xf32>,
        %swap3A_447 = arith.index_cast %rem3A_150 : i32 to index
        %swap3A_448 = arith.index_cast %scan3A_441 : i32 to index
        %swap3A_449 = arith.constant 144 : index
        %swap3A_450 = tpu.vector_load %arg8[%swap3A_447, %swap3A_448, %swap3A_449] {strides = array<i32>} : memref<4x32x768xf32, #tpu.memory_space<vmem>>, vector<1x1x16xf32>,
        %swap3A_451 = vector.shape_cast %swap3A_450 : vector<1x1x16xf32> to vector<16xf32>
        %swap3A_452 = vector.shape_cast %get3A_237 : vector<16xf32> to vector<1x1x16xf32>
        tpu.vector_store %arg8[%swap3A_447, %swap3A_448, %swap3A_449], %swap3A_452 {add = true, strides = array<i32>} : memref<4x32x768xf32, #tpu.memory_space<vmem>>, vector<1x1x16xf32>,
        %swap3A_453 = arith.index_cast %rem3A_150 : i32 to index
        %swap3A_454 = arith.index_cast %scan3A_441 : i32 to index
        %swap3A_455 = arith.constant 160 : index
        %swap3A_456 = tpu.vector_load %arg8[%swap3A_453, %swap3A_454, %swap3A_455] {strides = array<i32>} : memref<4x32x768xf32, #tpu.memory_space<vmem>>, vector<1x1x16xf32>,
        %swap3A_457 = vector.shape_cast %swap3A_456 : vector<1x1x16xf32> to vector<16xf32>
        %swap3A_458 = vector.shape_cast %get3A_241 : vector<16xf32> to vector<1x1x16xf32>
        tpu.vector_store %arg8[%swap3A_453, %swap3A_454, %swap3A_455], %swap3A_458 {add = true, strides = array<i32>} : memref<4x32x768xf32, #tpu.memory_space<vmem>>, vector<1x1x16xf32>,
        %swap3A_459 = arith.index_cast %rem3A_150 : i32 to index
        %swap3A_460 = arith.index_cast %scan3A_441 : i32 to index
        %swap3A_461 = arith.constant 176 : index
        %swap3A_462 = tpu.vector_load %arg8[%swap3A_459, %swap3A_460, %swap3A_461] {strides = array<i32>} : memref<4x32x768xf32, #tpu.memory_space<vmem>>, vector<1x1x16xf32>,
        %swap3A_463 = vector.shape_cast %swap3A_462 : vector<1x1x16xf32> to vector<16xf32>
        %swap3A_464 = vector.shape_cast %get3A_245 : vector<16xf32> to vector<1x1x16xf32>
        tpu.vector_store %arg8[%swap3A_459, %swap3A_460, %swap3A_461], %swap3A_464 {add = true, strides = array<i32>} : memref<4x32x768xf32, #tpu.memory_space<vmem>>, vector<1x1x16xf32>,
        %swap3A_465 = arith.index_cast %rem3A_150 : i32 to index
        %swap3A_466 = arith.index_cast %scan3A_441 : i32 to index
        %swap3A_467 = arith.constant 192 : index
        %swap3A_468 = tpu.vector_load %arg8[%swap3A_465, %swap3A_466, %swap3A_467] {strides = array<i32>} : memref<4x32x768xf32, #tpu.memory_space<vmem>>, vector<1x1x16xf32>,
        %swap3A_469 = vector.shape_cast %swap3A_468 : vector<1x1x16xf32> to vector<16xf32>
        %swap3A_470 = vector.shape_cast %get3A_249 : vector<16xf32> to vector<1x1x16xf32>
        tpu.vector_store %arg8[%swap3A_465, %swap3A_466, %swap3A_467], %swap3A_470 {add = true, strides = array<i32>} : memref<4x32x768xf32, #tpu.memory_space<vmem>>, vector<1x1x16xf32>,
        %swap3A_471 = arith.index_cast %rem3A_150 : i32 to index
        %swap3A_472 = arith.index_cast %scan3A_441 : i32 to index
        %swap3A_473 = arith.constant 208 : index
        %swap3A_474 = tpu.vector_load %arg8[%swap3A_471, %swap3A_472, %swap3A_473] {strides = array<i32>} : memref<4x32x768xf32, #tpu.memory_space<vmem>>, vector<1x1x16xf32>,
        %swap3A_475 = vector.shape_cast %swap3A_474 : vector<1x1x16xf32> to vector<16xf32>
        %swap3A_476 = vector.shape_cast %get3A_253 : vector<16xf32> to vector<1x1x16xf32>
        tpu.vector_store %arg8[%swap3A_471, %swap3A_472, %swap3A_473], %swap3A_476 {add = true, strides = array<i32>} : memref<4x32x768xf32, #tpu.memory_space<vmem>>, vector<1x1x16xf32>,
        %swap3A_477 = arith.index_cast %rem3A_150 : i32 to index
        %swap3A_478 = arith.index_cast %scan3A_441 : i32 to index
        %swap3A_479 = arith.constant 224 : index
        %swap3A_480 = tpu.vector_load %arg8[%swap3A_477, %swap3A_478, %swap3A_479] {strides = array<i32>} : memref<4x32x768xf32, #tpu.memory_space<vmem>>, vector<1x1x16xf32>,
        %swap3A_481 = vector.shape_cast %swap3A_480 : vector<1x1x16xf32> to vector<16xf32>
        %swap3A_482 = vector.shape_cast %get3A_257 : vector<16xf32> to vector<1x1x16xf32>
        tpu.vector_store %arg8[%swap3A_477, %swap3A_478, %swap3A_479], %swap3A_482 {add = true, strides = array<i32>} : memref<4x32x768xf32, #tpu.memory_space<vmem>>, vector<1x1x16xf32>,
        %swap3A_483 = arith.index_cast %rem3A_150 : i32 to index
        %swap3A_484 = arith.index_cast %scan3A_441 : i32 to index
        %swap3A_485 = arith.constant 240 : index
        %swap3A_486 = tpu.vector_load %arg8[%swap3A_483, %swap3A_484, %swap3A_485] {strides = array<i32>} : memref<4x32x768xf32, #tpu.memory_space<vmem>>, vector<1x1x16xf32>,
        %swap3A_487 = vector.shape_cast %swap3A_486 : vector<1x1x16xf32> to vector<16xf32>
        %swap3A_488 = vector.shape_cast %get3A_261 : vector<16xf32> to vector<1x1x16xf32>
        tpu.vector_store %arg8[%swap3A_483, %swap3A_484, %swap3A_485], %swap3A_488 {add = true, strides = array<i32>} : memref<4x32x768xf32, #tpu.memory_space<vmem>>, vector<1x1x16xf32>,
        %scan3A_489 = arith.constant 1 : i32
        %scan3A_490 = arith.addi %scan3A_441, %scan3A_489 : i32
        %swap3A_491 = arith.index_cast %rem3A_150 : i32 to index
        %swap3A_492 = arith.index_cast %scan3A_490 : i32 to index
        %swap3A_493 = arith.constant 128 : index
        %swap3A_494 = tpu.vector_load %arg8[%swap3A_491, %swap3A_492, %swap3A_493] {strides = array<i32>} : memref<4x32x768xf32, #tpu.memory_space<vmem>>, vector<1x1x16xf32>,
        %swap3A_495 = vector.shape_cast %swap3A_494 : vector<1x1x16xf32> to vector<16xf32>
        %swap3A_496 = vector.shape_cast %get3A_233 : vector<16xf32> to vector<1x1x16xf32>
        tpu.vector_store %arg8[%swap3A_491, %swap3A_492, %swap3A_493], %swap3A_496 {add = true, strides = array<i32>} : memref<4x32x768xf32, #tpu.memory_space<vmem>>, vector<1x1x16xf32>,
        %swap3A_497 = arith.index_cast %rem3A_150 : i32 to index
        %swap3A_498 = arith.index_cast %scan3A_490 : i32 to index
        %swap3A_499 = arith.constant 144 : index
        %swap3A_500 = tpu.vector_load %arg8[%swap3A_497, %swap3A_498, %swap3A_499] {strides = array<i32>} : memref<4x32x768xf32, #tpu.memory_space<vmem>>, vector<1x1x16xf32>,
        %swap3A_501 = vector.shape_cast %swap3A_500 : vector<1x1x16xf32> to vector<16xf32>
        %swap3A_502 = vector.shape_cast %get3A_237 : vector<16xf32> to vector<1x1x16xf32>
        tpu.vector_store %arg8[%swap3A_497, %swap3A_498, %swap3A_499], %swap3A_502 {add = true, strides = array<i32>} : memref<4x32x768xf32, #tpu.memory_space<vmem>>, vector<1x1x16xf32>,
        %swap3A_503 = arith.index_cast %rem3A_150 : i32 to index
        %swap3A_504 = arith.index_cast %scan3A_490 : i32 to index
        %swap3A_505 = arith.constant 160 : index
        %swap3A_506 = tpu.vector_load %arg8[%swap3A_503, %swap3A_504, %swap3A_505] {strides = array<i32>} : memref<4x32x768xf32, #tpu.memory_space<vmem>>, vector<1x1x16xf32>,
        %swap3A_507 = vector.shape_cast %swap3A_506 : vector<1x1x16xf32> to vector<16xf32>
        %swap3A_508 = vector.shape_cast %get3A_241 : vector<16xf32> to vector<1x1x16xf32>
        tpu.vector_store %arg8[%swap3A_503, %swap3A_504, %swap3A_505], %swap3A_508 {add = true, strides = array<i32>} : memref<4x32x768xf32, #tpu.memory_space<vmem>>, vector<1x1x16xf32>,
        %swap3A_509 = arith.index_cast %rem3A_150 : i32 to index
        %swap3A_510 = arith.index_cast %scan3A_490 : i32 to index
        %swap3A_511 = arith.constant 176 : index
        %swap3A_512 = tpu.vector_load %arg8[%swap3A_509, %swap3A_510, %swap3A_511] {strides = array<i32>} : memref<4x32x768xf32, #tpu.memory_space<vmem>>, vector<1x1x16xf32>,
        %swap3A_513 = vector.shape_cast %swap3A_512 : vector<1x1x16xf32> to vector<16xf32>
        %swap3A_514 = vector.shape_cast %get3A_245 : vector<16xf32> to vector<1x1x16xf32>
        tpu.vector_store %arg8[%swap3A_509, %swap3A_510, %swap3A_511], %swap3A_514 {add = true, strides = array<i32>} : memref<4x32x768xf32, #tpu.memory_space<vmem>>, vector<1x1x16xf32>,
        %swap3A_515 = arith.index_cast %rem3A_150 : i32 to index
        %swap3A_516 = arith.index_cast %scan3A_490 : i32 to index
        %swap3A_517 = arith.constant 192 : index
        %swap3A_518 = tpu.vector_load %arg8[%swap3A_515, %swap3A_516, %swap3A_517] {strides = array<i32>} : memref<4x32x768xf32, #tpu.memory_space<vmem>>, vector<1x1x16xf32>,
        %swap3A_519 = vector.shape_cast %swap3A_518 : vector<1x1x16xf32> to vector<16xf32>
        %swap3A_520 = vector.shape_cast %get3A_249 : vector<16xf32> to vector<1x1x16xf32>
        tpu.vector_store %arg8[%swap3A_515, %swap3A_516, %swap3A_517], %swap3A_520 {add = true, strides = array<i32>} : memref<4x32x768xf32, #tpu.memory_space<vmem>>, vector<1x1x16xf32>,
        %swap3A_521 = arith.index_cast %rem3A_150 : i32 to index
        %swap3A_522 = arith.index_cast %scan3A_490 : i32 to index
        %swap3A_523 = arith.constant 208 : index
        %swap3A_524 = tpu.vector_load %arg8[%swap3A_521, %swap3A_522, %swap3A_523] {strides = array<i32>} : memref<4x32x768xf32, #tpu.memory_space<vmem>>, vector<1x1x16xf32>,
        %swap3A_525 = vector.shape_cast %swap3A_524 : vector<1x1x16xf32> to vector<16xf32>
        %swap3A_526 = vector.shape_cast %get3A_253 : vector<16xf32> to vector<1x1x16xf32>
        tpu.vector_store %arg8[%swap3A_521, %swap3A_522, %swap3A_523], %swap3A_526 {add = true, strides = array<i32>} : memref<4x32x768xf32, #tpu.memory_space<vmem>>, vector<1x1x16xf32>,
        %swap3A_527 = arith.index_cast %rem3A_150 : i32 to index
        %swap3A_528 = arith.index_cast %scan3A_490 : i32 to index
        %swap3A_529 = arith.constant 224 : index
        %swap3A_530 = tpu.vector_load %arg8[%swap3A_527, %swap3A_528, %swap3A_529] {strides = array<i32>} : memref<4x32x768xf32, #tpu.memory_space<vmem>>, vector<1x1x16xf32>,
        %swap3A_531 = vector.shape_cast %swap3A_530 : vector<1x1x16xf32> to vector<16xf32>
        %swap3A_532 = vector.shape_cast %get3A_257 : vector<16xf32> to vector<1x1x16xf32>
        tpu.vector_store %arg8[%swap3A_527, %swap3A_528, %swap3A_529], %swap3A_532 {add = true, strides = array<i32>} : memref<4x32x768xf32, #tpu.memory_space<vmem>>, vector<1x1x16xf32>,
        %swap3A_533 = arith.index_cast %rem3A_150 : i32 to index
        %swap3A_534 = arith.index_cast %scan3A_490 : i32 to index
        %swap3A_535 = arith.constant 240 : index
        %swap3A_536 = tpu.vector_load %arg8[%swap3A_533, %swap3A_534, %swap3A_535] {strides = array<i32>} : memref<4x32x768xf32, #tpu.memory_space<vmem>>, vector<1x1x16xf32>,
        %swap3A_537 = vector.shape_cast %swap3A_536 : vector<1x1x16xf32> to vector<16xf32>
        %swap3A_538 = vector.shape_cast %get3A_261 : vector<16xf32> to vector<1x1x16xf32>
        tpu.vector_store %arg8[%swap3A_533, %swap3A_534, %swap3A_535], %swap3A_538 {add = true, strides = array<i32>} : memref<4x32x768xf32, #tpu.memory_space<vmem>>, vector<1x1x16xf32>,
      }
      %scan3A_267 = arith.constant 32 : i32
      %get3A_268 = arith.index_cast %sub3A_192 : i32 to index
      %get3A_269 = arith.constant 256 : index
      %get3A_270 = tpu.vector_load %arg7[%get3A_268, %get3A_269] {strides = array<i32>} : memref<8x768xf32, #tpu.memory_space<vmem>>, vector<1x16xf32>,
      %get3A_271 = vector.shape_cast %get3A_270 : vector<1x16xf32> to vector<16xf32>
      %get3A_272 = arith.index_cast %sub3A_192 : i32 to index
      %get3A_273 = arith.constant 272 : index
      %get3A_274 = tpu.vector_load %arg7[%get3A_272, %get3A_273] {strides = array<i32>} : memref<8x768xf32, #tpu.memory_space<vmem>>, vector<1x16xf32>,
      %get3A_275 = vector.shape_cast %get3A_274 : vector<1x16xf32> to vector<16xf32>
      %get3A_276 = arith.index_cast %sub3A_192 : i32 to index
      %get3A_277 = arith.constant 288 : index
      %get3A_278 = tpu.vector_load %arg7[%get3A_276, %get3A_277] {strides = array<i32>} : memref<8x768xf32, #tpu.memory_space<vmem>>, vector<1x16xf32>,
      %get3A_279 = vector.shape_cast %get3A_278 : vector<1x16xf32> to vector<16xf32>
      %get3A_280 = arith.index_cast %sub3A_192 : i32 to index
      %get3A_281 = arith.constant 304 : index
      %get3A_282 = tpu.vector_load %arg7[%get3A_280, %get3A_281] {strides = array<i32>} : memref<8x768xf32, #tpu.memory_space<vmem>>, vector<1x16xf32>,
      %get3A_283 = vector.shape_cast %get3A_282 : vector<1x16xf32> to vector<16xf32>
      %get3A_284 = arith.index_cast %sub3A_192 : i32 to index
      %get3A_285 = arith.constant 320 : index
      %get3A_286 = tpu.vector_load %arg7[%get3A_284, %get3A_285] {strides = array<i32>} : memref<8x768xf32, #tpu.memory_space<vmem>>, vector<1x16xf32>,
      %get3A_287 = vector.shape_cast %get3A_286 : vector<1x16xf32> to vector<16xf32>
      %get3A_288 = arith.index_cast %sub3A_192 : i32 to index
      %get3A_289 = arith.constant 336 : index
      %get3A_290 = tpu.vector_load %arg7[%get3A_288, %get3A_289] {strides = array<i32>} : memref<8x768xf32, #tpu.memory_space<vmem>>, vector<1x16xf32>,
      %get3A_291 = vector.shape_cast %get3A_290 : vector<1x16xf32> to vector<16xf32>
      %get3A_292 = arith.index_cast %sub3A_192 : i32 to index
      %get3A_293 = arith.constant 352 : index
      %get3A_294 = tpu.vector_load %arg7[%get3A_292, %get3A_293] {strides = array<i32>} : memref<8x768xf32, #tpu.memory_space<vmem>>, vector<1x16xf32>,
      %get3A_295 = vector.shape_cast %get3A_294 : vector<1x16xf32> to vector<16xf32>
      %get3A_296 = arith.index_cast %sub3A_192 : i32 to index
      %get3A_297 = arith.constant 368 : index
      %get3A_298 = tpu.vector_load %arg7[%get3A_296, %get3A_297] {strides = array<i32>} : memref<8x768xf32, #tpu.memory_space<vmem>>, vector<1x16xf32>,
      %get3A_299 = vector.shape_cast %get3A_298 : vector<1x16xf32> to vector<16xf32>
      %scan3A_300 = arith.constant 0 : i32
      %scan3A_301 = arith.constant 0 : i32
      %scan3A_302 = arith.constant 32 : i32
      %scan3A_303 = arith.addi %scan3A_301, %scan3A_302 : i32
      %scan3A_304 = arith.constant 2 : i32
      scf.for %scan3A_441 = %scan3A_301 to %scan3A_303 step %scan3A_304  : i32 {
        %swap3A = arith.index_cast %rem3A_150 : i32 to index
        %swap3A_442 = arith.index_cast %scan3A_441 : i32 to index
        %swap3A_443 = arith.constant 256 : index
        %swap3A_444 = tpu.vector_load %arg8[%swap3A, %swap3A_442, %swap3A_443] {strides = array<i32>} : memref<4x32x768xf32, #tpu.memory_space<vmem>>, vector<1x1x16xf32>,
        %swap3A_445 = vector.shape_cast %swap3A_444 : vector<1x1x16xf32> to vector<16xf32>
        %swap3A_446 = vector.shape_cast %get3A_271 : vector<16xf32> to vector<1x1x16xf32>
        tpu.vector_store %arg8[%swap3A, %swap3A_442, %swap3A_443], %swap3A_446 {add = true, strides = array<i32>} : memref<4x32x768xf32, #tpu.memory_space<vmem>>, vector<1x1x16xf32>,
        %swap3A_447 = arith.index_cast %rem3A_150 : i32 to index
        %swap3A_448 = arith.index_cast %scan3A_441 : i32 to index
        %swap3A_449 = arith.constant 272 : index
        %swap3A_450 = tpu.vector_load %arg8[%swap3A_447, %swap3A_448, %swap3A_449] {strides = array<i32>} : memref<4x32x768xf32, #tpu.memory_space<vmem>>, vector<1x1x16xf32>,
        %swap3A_451 = vector.shape_cast %swap3A_450 : vector<1x1x16xf32> to vector<16xf32>
        %swap3A_452 = vector.shape_cast %get3A_275 : vector<16xf32> to vector<1x1x16xf32>
        tpu.vector_store %arg8[%swap3A_447, %swap3A_448, %swap3A_449], %swap3A_452 {add = true, strides = array<i32>} : memref<4x32x768xf32, #tpu.memory_space<vmem>>, vector<1x1x16xf32>,
        %swap3A_453 = arith.index_cast %rem3A_150 : i32 to index
        %swap3A_454 = arith.index_cast %scan3A_441 : i32 to index
        %swap3A_455 = arith.constant 288 : index
        %swap3A_456 = tpu.vector_load %arg8[%swap3A_453, %swap3A_454, %swap3A_455] {strides = array<i32>} : memref<4x32x768xf32, #tpu.memory_space<vmem>>, vector<1x1x16xf32>,
        %swap3A_457 = vector.shape_cast %swap3A_456 : vector<1x1x16xf32> to vector<16xf32>
        %swap3A_458 = vector.shape_cast %get3A_279 : vector<16xf32> to vector<1x1x16xf32>
        tpu.vector_store %arg8[%swap3A_453, %swap3A_454, %swap3A_455], %swap3A_458 {add = true, strides = array<i32>} : memref<4x32x768xf32, #tpu.memory_space<vmem>>, vector<1x1x16xf32>,
        %swap3A_459 = arith.index_cast %rem3A_150 : i32 to index
        %swap3A_460 = arith.index_cast %scan3A_441 : i32 to index
        %swap3A_461 = arith.constant 304 : index
        %swap3A_462 = tpu.vector_load %arg8[%swap3A_459, %swap3A_460, %swap3A_461] {strides = array<i32>} : memref<4x32x768xf32, #tpu.memory_space<vmem>>, vector<1x1x16xf32>,
        %swap3A_463 = vector.shape_cast %swap3A_462 : vector<1x1x16xf32> to vector<16xf32>
        %swap3A_464 = vector.shape_cast %get3A_283 : vector<16xf32> to vector<1x1x16xf32>
        tpu.vector_store %arg8[%swap3A_459, %swap3A_460, %swap3A_461], %swap3A_464 {add = true, strides = array<i32>} : memref<4x32x768xf32, #tpu.memory_space<vmem>>, vector<1x1x16xf32>,
        %swap3A_465 = arith.index_cast %rem3A_150 : i32 to index
        %swap3A_466 = arith.index_cast %scan3A_441 : i32 to index
        %swap3A_467 = arith.constant 320 : index
        %swap3A_468 = tpu.vector_load %arg8[%swap3A_465, %swap3A_466, %swap3A_467] {strides = array<i32>} : memref<4x32x768xf32, #tpu.memory_space<vmem>>, vector<1x1x16xf32>,
        %swap3A_469 = vector.shape_cast %swap3A_468 : vector<1x1x16xf32> to vector<16xf32>
        %swap3A_470 = vector.shape_cast %get3A_287 : vector<16xf32> to vector<1x1x16xf32>
        tpu.vector_store %arg8[%swap3A_465, %swap3A_466, %swap3A_467], %swap3A_470 {add = true, strides = array<i32>} : memref<4x32x768xf32, #tpu.memory_space<vmem>>, vector<1x1x16xf32>,
        %swap3A_471 = arith.index_cast %rem3A_150 : i32 to index
        %swap3A_472 = arith.index_cast %scan3A_441 : i32 to index
        %swap3A_473 = arith.constant 336 : index
        %swap3A_474 = tpu.vector_load %arg8[%swap3A_471, %swap3A_472, %swap3A_473] {strides = array<i32>} : memref<4x32x768xf32, #tpu.memory_space<vmem>>, vector<1x1x16xf32>,
        %swap3A_475 = vector.shape_cast %swap3A_474 : vector<1x1x16xf32> to vector<16xf32>
        %swap3A_476 = vector.shape_cast %get3A_291 : vector<16xf32> to vector<1x1x16xf32>
        tpu.vector_store %arg8[%swap3A_471, %swap3A_472, %swap3A_473], %swap3A_476 {add = true, strides = array<i32>} : memref<4x32x768xf32, #tpu.memory_space<vmem>>, vector<1x1x16xf32>,
        %swap3A_477 = arith.index_cast %rem3A_150 : i32 to index
        %swap3A_478 = arith.index_cast %scan3A_441 : i32 to index
        %swap3A_479 = arith.constant 352 : index
        %swap3A_480 = tpu.vector_load %arg8[%swap3A_477, %swap3A_478, %swap3A_479] {strides = array<i32>} : memref<4x32x768xf32, #tpu.memory_space<vmem>>, vector<1x1x16xf32>,
        %swap3A_481 = vector.shape_cast %swap3A_480 : vector<1x1x16xf32> to vector<16xf32>
        %swap3A_482 = vector.shape_cast %get3A_295 : vector<16xf32> to vector<1x1x16xf32>
        tpu.vector_store %arg8[%swap3A_477, %swap3A_478, %swap3A_479], %swap3A_482 {add = true, strides = array<i32>} : memref<4x32x768xf32, #tpu.memory_space<vmem>>, vector<1x1x16xf32>,
        %swap3A_483 = arith.index_cast %rem3A_150 : i32 to index
        %swap3A_484 = arith.index_cast %scan3A_441 : i32 to index
        %swap3A_485 = arith.constant 368 : index
        %swap3A_486 = tpu.vector_load %arg8[%swap3A_483, %swap3A_484, %swap3A_485] {strides = array<i32>} : memref<4x32x768xf32, #tpu.memory_space<vmem>>, vector<1x1x16xf32>,
        %swap3A_487 = vector.shape_cast %swap3A_486 : vector<1x1x16xf32> to vector<16xf32>
        %swap3A_488 = vector.shape_cast %get3A_299 : vector<16xf32> to vector<1x1x16xf32>
        tpu.vector_store %arg8[%swap3A_483, %swap3A_484, %swap3A_485], %swap3A_488 {add = true, strides = array<i32>} : memref<4x32x768xf32, #tpu.memory_space<vmem>>, vector<1x1x16xf32>,
        %scan3A_489 = arith.constant 1 : i32
        %scan3A_490 = arith.addi %scan3A_441, %scan3A_489 : i32
        %swap3A_491 = arith.index_cast %rem3A_150 : i32 to index
        %swap3A_492 = arith.index_cast %scan3A_490 : i32 to index
        %swap3A_493 = arith.constant 256 : index
        %swap3A_494 = tpu.vector_load %arg8[%swap3A_491, %swap3A_492, %swap3A_493] {strides = array<i32>} : memref<4x32x768xf32, #tpu.memory_space<vmem>>, vector<1x1x16xf32>,
        %swap3A_495 = vector.shape_cast %swap3A_494 : vector<1x1x16xf32> to vector<16xf32>
        %swap3A_496 = vector.shape_cast %get3A_271 : vector<16xf32> to vector<1x1x16xf32>
        tpu.vector_store %arg8[%swap3A_491, %swap3A_492, %swap3A_493], %swap3A_496 {add = true, strides = array<i32>} : memref<4x32x768xf32, #tpu.memory_space<vmem>>, vector<1x1x16xf32>,
        %swap3A_497 = arith.index_cast %rem3A_150 : i32 to index
        %swap3A_498 = arith.index_cast %scan3A_490 : i32 to index
        %swap3A_499 = arith.constant 272 : index
        %swap3A_500 = tpu.vector_load %arg8[%swap3A_497, %swap3A_498, %swap3A_499] {strides = array<i32>} : memref<4x32x768xf32, #tpu.memory_space<vmem>>, vector<1x1x16xf32>,
        %swap3A_501 = vector.shape_cast %swap3A_500 : vector<1x1x16xf32> to vector<16xf32>
        %swap3A_502 = vector.shape_cast %get3A_275 : vector<16xf32> to vector<1x1x16xf32>
        tpu.vector_store %arg8[%swap3A_497, %swap3A_498, %swap3A_499], %swap3A_502 {add = true, strides = array<i32>} : memref<4x32x768xf32, #tpu.memory_space<vmem>>, vector<1x1x16xf32>,
        %swap3A_503 = arith.index_cast %rem3A_150 : i32 to index
        %swap3A_504 = arith.index_cast %scan3A_490 : i32 to index
        %swap3A_505 = arith.constant 288 : index
        %swap3A_506 = tpu.vector_load %arg8[%swap3A_503, %swap3A_504, %swap3A_505] {strides = array<i32>} : memref<4x32x768xf32, #tpu.memory_space<vmem>>, vector<1x1x16xf32>,
        %swap3A_507 = vector.shape_cast %swap3A_506 : vector<1x1x16xf32> to vector<16xf32>
        %swap3A_508 = vector.shape_cast %get3A_279 : vector<16xf32> to vector<1x1x16xf32>
        tpu.vector_store %arg8[%swap3A_503, %swap3A_504, %swap3A_505], %swap3A_508 {add = true, strides = array<i32>} : memref<4x32x768xf32, #tpu.memory_space<vmem>>, vector<1x1x16xf32>,
        %swap3A_509 = arith.index_cast %rem3A_150 : i32 to index
        %swap3A_510 = arith.index_cast %scan3A_490 : i32 to index
        %swap3A_511 = arith.constant 304 : index
        %swap3A_512 = tpu.vector_load %arg8[%swap3A_509, %swap3A_510, %swap3A_511] {strides = array<i32>} : memref<4x32x768xf32, #tpu.memory_space<vmem>>, vector<1x1x16xf32>,
        %swap3A_513 = vector.shape_cast %swap3A_512 : vector<1x1x16xf32> to vector<16xf32>
        %swap3A_514 = vector.shape_cast %get3A_283 : vector<16xf32> to vector<1x1x16xf32>
        tpu.vector_store %arg8[%swap3A_509, %swap3A_510, %swap3A_511], %swap3A_514 {add = true, strides = array<i32>} : memref<4x32x768xf32, #tpu.memory_space<vmem>>, vector<1x1x16xf32>,
        %swap3A_515 = arith.index_cast %rem3A_150 : i32 to index
        %swap3A_516 = arith.index_cast %scan3A_490 : i32 to index
        %swap3A_517 = arith.constant 320 : index
        %swap3A_518 = tpu.vector_load %arg8[%swap3A_515, %swap3A_516, %swap3A_517] {strides = array<i32>} : memref<4x32x768xf32, #tpu.memory_space<vmem>>, vector<1x1x16xf32>,
        %swap3A_519 = vector.shape_cast %swap3A_518 : vector<1x1x16xf32> to vector<16xf32>
        %swap3A_520 = vector.shape_cast %get3A_287 : vector<16xf32> to vector<1x1x16xf32>
        tpu.vector_store %arg8[%swap3A_515, %swap3A_516, %swap3A_517], %swap3A_520 {add = true, strides = array<i32>} : memref<4x32x768xf32, #tpu.memory_space<vmem>>, vector<1x1x16xf32>,
        %swap3A_521 = arith.index_cast %rem3A_150 : i32 to index
        %swap3A_522 = arith.index_cast %scan3A_490 : i32 to index
        %swap3A_523 = arith.constant 336 : index
        %swap3A_524 = tpu.vector_load %arg8[%swap3A_521, %swap3A_522, %swap3A_523] {strides = array<i32>} : memref<4x32x768xf32, #tpu.memory_space<vmem>>, vector<1x1x16xf32>,
        %swap3A_525 = vector.shape_cast %swap3A_524 : vector<1x1x16xf32> to vector<16xf32>
        %swap3A_526 = vector.shape_cast %get3A_291 : vector<16xf32> to vector<1x1x16xf32>
        tpu.vector_store %arg8[%swap3A_521, %swap3A_522, %swap3A_523], %swap3A_526 {add = true, strides = array<i32>} : memref<4x32x768xf32, #tpu.memory_space<vmem>>, vector<1x1x16xf32>,
        %swap3A_527 = arith.index_cast %rem3A_150 : i32 to index
        %swap3A_528 = arith.index_cast %scan3A_490 : i32 to index
        %swap3A_529 = arith.constant 352 : index
        %swap3A_530 = tpu.vector_load %arg8[%swap3A_527, %swap3A_528, %swap3A_529] {strides = array<i32>} : memref<4x32x768xf32, #tpu.memory_space<vmem>>, vector<1x1x16xf32>,
        %swap3A_531 = vector.shape_cast %swap3A_530 : vector<1x1x16xf32> to vector<16xf32>
        %swap3A_532 = vector.shape_cast %get3A_295 : vector<16xf32> to vector<1x1x16xf32>
        tpu.vector_store %arg8[%swap3A_527, %swap3A_528, %swap3A_529], %swap3A_532 {add = true, strides = array<i32>} : memref<4x32x768xf32, #tpu.memory_space<vmem>>, vector<1x1x16xf32>,
        %swap3A_533 = arith.index_cast %rem3A_150 : i32 to index
        %swap3A_534 = arith.index_cast %scan3A_490 : i32 to index
        %swap3A_535 = arith.constant 368 : index
        %swap3A_536 = tpu.vector_load %arg8[%swap3A_533, %swap3A_534, %swap3A_535] {strides = array<i32>} : memref<4x32x768xf32, #tpu.memory_space<vmem>>, vector<1x1x16xf32>,
        %swap3A_537 = vector.shape_cast %swap3A_536 : vector<1x1x16xf32> to vector<16xf32>
        %swap3A_538 = vector.shape_cast %get3A_299 : vector<16xf32> to vector<1x1x16xf32>
        tpu.vector_store %arg8[%swap3A_533, %swap3A_534, %swap3A_535], %swap3A_538 {add = true, strides = array<i32>} : memref<4x32x768xf32, #tpu.memory_space<vmem>>, vector<1x1x16xf32>,
      }
      %scan3A_305 = arith.constant 32 : i32
      %get3A_306 = arith.index_cast %sub3A_192 : i32 to index
      %get3A_307 = arith.constant 384 : index
      %get3A_308 = tpu.vector_load %arg7[%get3A_306, %get3A_307] {strides = array<i32>} : memref<8x768xf32, #tpu.memory_space<vmem>>, vector<1x16xf32>,
      %get3A_309 = vector.shape_cast %get3A_308 : vector<1x16xf32> to vector<16xf32>
      %get3A_310 = arith.index_cast %sub3A_192 : i32 to index
      %get3A_311 = arith.constant 400 : index
      %get3A_312 = tpu.vector_load %arg7[%get3A_310, %get3A_311] {strides = array<i32>} : memref<8x768xf32, #tpu.memory_space<vmem>>, vector<1x16xf32>,
      %get3A_313 = vector.shape_cast %get3A_312 : vector<1x16xf32> to vector<16xf32>
      %get3A_314 = arith.index_cast %sub3A_192 : i32 to index
      %get3A_315 = arith.constant 416 : index
      %get3A_316 = tpu.vector_load %arg7[%get3A_314, %get3A_315] {strides = array<i32>} : memref<8x768xf32, #tpu.memory_space<vmem>>, vector<1x16xf32>,
      %get3A_317 = vector.shape_cast %get3A_316 : vector<1x16xf32> to vector<16xf32>
      %get3A_318 = arith.index_cast %sub3A_192 : i32 to index
      %get3A_319 = arith.constant 432 : index
      %get3A_320 = tpu.vector_load %arg7[%get3A_318, %get3A_319] {strides = array<i32>} : memref<8x768xf32, #tpu.memory_space<vmem>>, vector<1x16xf32>,
      %get3A_321 = vector.shape_cast %get3A_320 : vector<1x16xf32> to vector<16xf32>
      %get3A_322 = arith.index_cast %sub3A_192 : i32 to index
      %get3A_323 = arith.constant 448 : index
      %get3A_324 = tpu.vector_load %arg7[%get3A_322, %get3A_323] {strides = array<i32>} : memref<8x768xf32, #tpu.memory_space<vmem>>, vector<1x16xf32>,
      %get3A_325 = vector.shape_cast %get3A_324 : vector<1x16xf32> to vector<16xf32>
      %get3A_326 = arith.index_cast %sub3A_192 : i32 to index
      %get3A_327 = arith.constant 464 : index
      %get3A_328 = tpu.vector_load %arg7[%get3A_326, %get3A_327] {strides = array<i32>} : memref<8x768xf32, #tpu.memory_space<vmem>>, vector<1x16xf32>,
      %get3A_329 = vector.shape_cast %get3A_328 : vector<1x16xf32> to vector<16xf32>
      %get3A_330 = arith.index_cast %sub3A_192 : i32 to index
      %get3A_331 = arith.constant 480 : index
      %get3A_332 = tpu.vector_load %arg7[%get3A_330, %get3A_331] {strides = array<i32>} : memref<8x768xf32, #tpu.memory_space<vmem>>, vector<1x16xf32>,
      %get3A_333 = vector.shape_cast %get3A_332 : vector<1x16xf32> to vector<16xf32>
      %get3A_334 = arith.index_cast %sub3A_192 : i32 to index
      %get3A_335 = arith.constant 496 : index
      %get3A_336 = tpu.vector_load %arg7[%get3A_334, %get3A_335] {strides = array<i32>} : memref<8x768xf32, #tpu.memory_space<vmem>>, vector<1x16xf32>,
      %get3A_337 = vector.shape_cast %get3A_336 : vector<1x16xf32> to vector<16xf32>
      %scan3A_338 = arith.constant 0 : i32
      %scan3A_339 = arith.constant 0 : i32
      %scan3A_340 = arith.constant 32 : i32
      %scan3A_341 = arith.addi %scan3A_339, %scan3A_340 : i32
      %scan3A_342 = arith.constant 2 : i32
      scf.for %scan3A_441 = %scan3A_339 to %scan3A_341 step %scan3A_342  : i32 {
        %swap3A = arith.index_cast %rem3A_150 : i32 to index
        %swap3A_442 = arith.index_cast %scan3A_441 : i32 to index
        %swap3A_443 = arith.constant 384 : index
        %swap3A_444 = tpu.vector_load %arg8[%swap3A, %swap3A_442, %swap3A_443] {strides = array<i32>} : memref<4x32x768xf32, #tpu.memory_space<vmem>>, vector<1x1x16xf32>,
        %swap3A_445 = vector.shape_cast %swap3A_444 : vector<1x1x16xf32> to vector<16xf32>
        %swap3A_446 = vector.shape_cast %get3A_309 : vector<16xf32> to vector<1x1x16xf32>
        tpu.vector_store %arg8[%swap3A, %swap3A_442, %swap3A_443], %swap3A_446 {add = true, strides = array<i32>} : memref<4x32x768xf32, #tpu.memory_space<vmem>>, vector<1x1x16xf32>,
        %swap3A_447 = arith.index_cast %rem3A_150 : i32 to index
        %swap3A_448 = arith.index_cast %scan3A_441 : i32 to index
        %swap3A_449 = arith.constant 400 : index
        %swap3A_450 = tpu.vector_load %arg8[%swap3A_447, %swap3A_448, %swap3A_449] {strides = array<i32>} : memref<4x32x768xf32, #tpu.memory_space<vmem>>, vector<1x1x16xf32>,
        %swap3A_451 = vector.shape_cast %swap3A_450 : vector<1x1x16xf32> to vector<16xf32>
        %swap3A_452 = vector.shape_cast %get3A_313 : vector<16xf32> to vector<1x1x16xf32>
        tpu.vector_store %arg8[%swap3A_447, %swap3A_448, %swap3A_449], %swap3A_452 {add = true, strides = array<i32>} : memref<4x32x768xf32, #tpu.memory_space<vmem>>, vector<1x1x16xf32>,
        %swap3A_453 = arith.index_cast %rem3A_150 : i32 to index
        %swap3A_454 = arith.index_cast %scan3A_441 : i32 to index
        %swap3A_455 = arith.constant 416 : index
        %swap3A_456 = tpu.vector_load %arg8[%swap3A_453, %swap3A_454, %swap3A_455] {strides = array<i32>} : memref<4x32x768xf32, #tpu.memory_space<vmem>>, vector<1x1x16xf32>,
        %swap3A_457 = vector.shape_cast %swap3A_456 : vector<1x1x16xf32> to vector<16xf32>
        %swap3A_458 = vector.shape_cast %get3A_317 : vector<16xf32> to vector<1x1x16xf32>
        tpu.vector_store %arg8[%swap3A_453, %swap3A_454, %swap3A_455], %swap3A_458 {add = true, strides = array<i32>} : memref<4x32x768xf32, #tpu.memory_space<vmem>>, vector<1x1x16xf32>,
        %swap3A_459 = arith.index_cast %rem3A_150 : i32 to index
        %swap3A_460 = arith.index_cast %scan3A_441 : i32 to index
        %swap3A_461 = arith.constant 432 : index
        %swap3A_462 = tpu.vector_load %arg8[%swap3A_459, %swap3A_460, %swap3A_461] {strides = array<i32>} : memref<4x32x768xf32, #tpu.memory_space<vmem>>, vector<1x1x16xf32>,
        %swap3A_463 = vector.shape_cast %swap3A_462 : vector<1x1x16xf32> to vector<16xf32>
        %swap3A_464 = vector.shape_cast %get3A_321 : vector<16xf32> to vector<1x1x16xf32>
        tpu.vector_store %arg8[%swap3A_459, %swap3A_460, %swap3A_461], %swap3A_464 {add = true, strides = array<i32>} : memref<4x32x768xf32, #tpu.memory_space<vmem>>, vector<1x1x16xf32>,
        %swap3A_465 = arith.index_cast %rem3A_150 : i32 to index
        %swap3A_466 = arith.index_cast %scan3A_441 : i32 to index
        %swap3A_467 = arith.constant 448 : index
        %swap3A_468 = tpu.vector_load %arg8[%swap3A_465, %swap3A_466, %swap3A_467] {strides = array<i32>} : memref<4x32x768xf32, #tpu.memory_space<vmem>>, vector<1x1x16xf32>,
        %swap3A_469 = vector.shape_cast %swap3A_468 : vector<1x1x16xf32> to vector<16xf32>
        %swap3A_470 = vector.shape_cast %get3A_325 : vector<16xf32> to vector<1x1x16xf32>
        tpu.vector_store %arg8[%swap3A_465, %swap3A_466, %swap3A_467], %swap3A_470 {add = true, strides = array<i32>} : memref<4x32x768xf32, #tpu.memory_space<vmem>>, vector<1x1x16xf32>,
        %swap3A_471 = arith.index_cast %rem3A_150 : i32 to index
        %swap3A_472 = arith.index_cast %scan3A_441 : i32 to index
        %swap3A_473 = arith.constant 464 : index
        %swap3A_474 = tpu.vector_load %arg8[%swap3A_471, %swap3A_472, %swap3A_473] {strides = array<i32>} : memref<4x32x768xf32, #tpu.memory_space<vmem>>, vector<1x1x16xf32>,
        %swap3A_475 = vector.shape_cast %swap3A_474 : vector<1x1x16xf32> to vector<16xf32>
        %swap3A_476 = vector.shape_cast %get3A_329 : vector<16xf32> to vector<1x1x16xf32>
        tpu.vector_store %arg8[%swap3A_471, %swap3A_472, %swap3A_473], %swap3A_476 {add = true, strides = array<i32>} : memref<4x32x768xf32, #tpu.memory_space<vmem>>, vector<1x1x16xf32>,
        %swap3A_477 = arith.index_cast %rem3A_150 : i32 to index
        %swap3A_478 = arith.index_cast %scan3A_441 : i32 to index
        %swap3A_479 = arith.constant 480 : index
        %swap3A_480 = tpu.vector_load %arg8[%swap3A_477, %swap3A_478, %swap3A_479] {strides = array<i32>} : memref<4x32x768xf32, #tpu.memory_space<vmem>>, vector<1x1x16xf32>,
        %swap3A_481 = vector.shape_cast %swap3A_480 : vector<1x1x16xf32> to vector<16xf32>
        %swap3A_482 = vector.shape_cast %get3A_333 : vector<16xf32> to vector<1x1x16xf32>
        tpu.vector_store %arg8[%swap3A_477, %swap3A_478, %swap3A_479], %swap3A_482 {add = true, strides = array<i32>} : memref<4x32x768xf32, #tpu.memory_space<vmem>>, vector<1x1x16xf32>,
        %swap3A_483 = arith.index_cast %rem3A_150 : i32 to index
        %swap3A_484 = arith.index_cast %scan3A_441 : i32 to index
        %swap3A_485 = arith.constant 496 : index
        %swap3A_486 = tpu.vector_load %arg8[%swap3A_483, %swap3A_484, %swap3A_485] {strides = array<i32>} : memref<4x32x768xf32, #tpu.memory_space<vmem>>, vector<1x1x16xf32>,
        %swap3A_487 = vector.shape_cast %swap3A_486 : vector<1x1x16xf32> to vector<16xf32>
        %swap3A_488 = vector.shape_cast %get3A_337 : vector<16xf32> to vector<1x1x16xf32>
        tpu.vector_store %arg8[%swap3A_483, %swap3A_484, %swap3A_485], %swap3A_488 {add = true, strides = array<i32>} : memref<4x32x768xf32, #tpu.memory_space<vmem>>, vector<1x1x16xf32>,
        %scan3A_489 = arith.constant 1 : i32
        %scan3A_490 = arith.addi %scan3A_441, %scan3A_489 : i32
        %swap3A_491 = arith.index_cast %rem3A_150 : i32 to index
        %swap3A_492 = arith.index_cast %scan3A_490 : i32 to index
        %swap3A_493 = arith.constant 384 : index
        %swap3A_494 = tpu.vector_load %arg8[%swap3A_491, %swap3A_492, %swap3A_493] {strides = array<i32>} : memref<4x32x768xf32, #tpu.memory_space<vmem>>, vector<1x1x16xf32>,
        %swap3A_495 = vector.shape_cast %swap3A_494 : vector<1x1x16xf32> to vector<16xf32>
        %swap3A_496 = vector.shape_cast %get3A_309 : vector<16xf32> to vector<1x1x16xf32>
        tpu.vector_store %arg8[%swap3A_491, %swap3A_492, %swap3A_493], %swap3A_496 {add = true, strides = array<i32>} : memref<4x32x768xf32, #tpu.memory_space<vmem>>, vector<1x1x16xf32>,
        %swap3A_497 = arith.index_cast %rem3A_150 : i32 to index
        %swap3A_498 = arith.index_cast %scan3A_490 : i32 to index
        %swap3A_499 = arith.constant 400 : index
        %swap3A_500 = tpu.vector_load %arg8[%swap3A_497, %swap3A_498, %swap3A_499] {strides = array<i32>} : memref<4x32x768xf32, #tpu.memory_space<vmem>>, vector<1x1x16xf32>,
        %swap3A_501 = vector.shape_cast %swap3A_500 : vector<1x1x16xf32> to vector<16xf32>
        %swap3A_502 = vector.shape_cast %get3A_313 : vector<16xf32> to vector<1x1x16xf32>
        tpu.vector_store %arg8[%swap3A_497, %swap3A_498, %swap3A_499], %swap3A_502 {add = true, strides = array<i32>} : memref<4x32x768xf32, #tpu.memory_space<vmem>>, vector<1x1x16xf32>,
        %swap3A_503 = arith.index_cast %rem3A_150 : i32 to index
        %swap3A_504 = arith.index_cast %scan3A_490 : i32 to index
        %swap3A_505 = arith.constant 416 : index
        %swap3A_506 = tpu.vector_load %arg8[%swap3A_503, %swap3A_504, %swap3A_505] {strides = array<i32>} : memref<4x32x768xf32, #tpu.memory_space<vmem>>, vector<1x1x16xf32>,
        %swap3A_507 = vector.shape_cast %swap3A_506 : vector<1x1x16xf32> to vector<16xf32>
        %swap3A_508 = vector.shape_cast %get3A_317 : vector<16xf32> to vector<1x1x16xf32>
        tpu.vector_store %arg8[%swap3A_503, %swap3A_504, %swap3A_505], %swap3A_508 {add = true, strides = array<i32>} : memref<4x32x768xf32, #tpu.memory_space<vmem>>, vector<1x1x16xf32>,
        %swap3A_509 = arith.index_cast %rem3A_150 : i32 to index
        %swap3A_510 = arith.index_cast %scan3A_490 : i32 to index
        %swap3A_511 = arith.constant 432 : index
        %swap3A_512 = tpu.vector_load %arg8[%swap3A_509, %swap3A_510, %swap3A_511] {strides = array<i32>} : memref<4x32x768xf32, #tpu.memory_space<vmem>>, vector<1x1x16xf32>,
        %swap3A_513 = vector.shape_cast %swap3A_512 : vector<1x1x16xf32> to vector<16xf32>
        %swap3A_514 = vector.shape_cast %get3A_321 : vector<16xf32> to vector<1x1x16xf32>
        tpu.vector_store %arg8[%swap3A_509, %swap3A_510, %swap3A_511], %swap3A_514 {add = true, strides = array<i32>} : memref<4x32x768xf32, #tpu.memory_space<vmem>>, vector<1x1x16xf32>,
        %swap3A_515 = arith.index_cast %rem3A_150 : i32 to index
        %swap3A_516 = arith.index_cast %scan3A_490 : i32 to index
        %swap3A_517 = arith.constant 448 : index
        %swap3A_518 = tpu.vector_load %arg8[%swap3A_515, %swap3A_516, %swap3A_517] {strides = array<i32>} : memref<4x32x768xf32, #tpu.memory_space<vmem>>, vector<1x1x16xf32>,
        %swap3A_519 = vector.shape_cast %swap3A_518 : vector<1x1x16xf32> to vector<16xf32>
        %swap3A_520 = vector.shape_cast %get3A_325 : vector<16xf32> to vector<1x1x16xf32>
        tpu.vector_store %arg8[%swap3A_515, %swap3A_516, %swap3A_517], %swap3A_520 {add = true, strides = array<i32>} : memref<4x32x768xf32, #tpu.memory_space<vmem>>, vector<1x1x16xf32>,
        %swap3A_521 = arith.index_cast %rem3A_150 : i32 to index
        %swap3A_522 = arith.index_cast %scan3A_490 : i32 to index
        %swap3A_523 = arith.constant 464 : index
        %swap3A_524 = tpu.vector_load %arg8[%swap3A_521, %swap3A_522, %swap3A_523] {strides = array<i32>} : memref<4x32x768xf32, #tpu.memory_space<vmem>>, vector<1x1x16xf32>,
        %swap3A_525 = vector.shape_cast %swap3A_524 : vector<1x1x16xf32> to vector<16xf32>
        %swap3A_526 = vector.shape_cast %get3A_329 : vector<16xf32> to vector<1x1x16xf32>
        tpu.vector_store %arg8[%swap3A_521, %swap3A_522, %swap3A_523], %swap3A_526 {add = true, strides = array<i32>} : memref<4x32x768xf32, #tpu.memory_space<vmem>>, vector<1x1x16xf32>,
        %swap3A_527 = arith.index_cast %rem3A_150 : i32 to index
        %swap3A_528 = arith.index_cast %scan3A_490 : i32 to index
        %swap3A_529 = arith.constant 480 : index
        %swap3A_530 = tpu.vector_load %arg8[%swap3A_527, %swap3A_528, %swap3A_529] {strides = array<i32>} : memref<4x32x768xf32, #tpu.memory_space<vmem>>, vector<1x1x16xf32>,
        %swap3A_531 = vector.shape_cast %swap3A_530 : vector<1x1x16xf32> to vector<16xf32>
        %swap3A_532 = vector.shape_cast %get3A_333 : vector<16xf32> to vector<1x1x16xf32>
        tpu.vector_store %arg8[%swap3A_527, %swap3A_528, %swap3A_529], %swap3A_532 {add = true, strides = array<i32>} : memref<4x32x768xf32, #tpu.memory_space<vmem>>, vector<1x1x16xf32>,
        %swap3A_533 = arith.index_cast %rem3A_150 : i32 to index
        %swap3A_534 = arith.index_cast %scan3A_490 : i32 to index
        %swap3A_535 = arith.constant 496 : index
        %swap3A_536 = tpu.vector_load %arg8[%swap3A_533, %swap3A_534, %swap3A_535] {strides = array<i32>} : memref<4x32x768xf32, #tpu.memory_space<vmem>>, vector<1x1x16xf32>,
        %swap3A_537 = vector.shape_cast %swap3A_536 : vector<1x1x16xf32> to vector<16xf32>
        %swap3A_538 = vector.shape_cast %get3A_337 : vector<16xf32> to vector<1x1x16xf32>
        tpu.vector_store %arg8[%swap3A_533, %swap3A_534, %swap3A_535], %swap3A_538 {add = true, strides = array<i32>} : memref<4x32x768xf32, #tpu.memory_space<vmem>>, vector<1x1x16xf32>,
      }
      %scan3A_343 = arith.constant 32 : i32
      %get3A_344 = arith.index_cast %sub3A_192 : i32 to index
      %get3A_345 = arith.constant 512 : index
      %get3A_346 = tpu.vector_load %arg7[%get3A_344, %get3A_345] {strides = array<i32>} : memref<8x768xf32, #tpu.memory_space<vmem>>, vector<1x16xf32>,
      %get3A_347 = vector.shape_cast %get3A_346 : vector<1x16xf32> to vector<16xf32>
      %get3A_348 = arith.index_cast %sub3A_192 : i32 to index
      %get3A_349 = arith.constant 528 : index
      %get3A_350 = tpu.vector_load %arg7[%get3A_348, %get3A_349] {strides = array<i32>} : memref<8x768xf32, #tpu.memory_space<vmem>>, vector<1x16xf32>,
      %get3A_351 = vector.shape_cast %get3A_350 : vector<1x16xf32> to vector<16xf32>
      %get3A_352 = arith.index_cast %sub3A_192 : i32 to index
      %get3A_353 = arith.constant 544 : index
      %get3A_354 = tpu.vector_load %arg7[%get3A_352, %get3A_353] {strides = array<i32>} : memref<8x768xf32, #tpu.memory_space<vmem>>, vector<1x16xf32>,
      %get3A_355 = vector.shape_cast %get3A_354 : vector<1x16xf32> to vector<16xf32>
      %get3A_356 = arith.index_cast %sub3A_192 : i32 to index
      %get3A_357 = arith.constant 560 : index
      %get3A_358 = tpu.vector_load %arg7[%get3A_356, %get3A_357] {strides = array<i32>} : memref<8x768xf32, #tpu.memory_space<vmem>>, vector<1x16xf32>,
      %get3A_359 = vector.shape_cast %get3A_358 : vector<1x16xf32> to vector<16xf32>
      %get3A_360 = arith.index_cast %sub3A_192 : i32 to index
      %get3A_361 = arith.constant 576 : index
      %get3A_362 = tpu.vector_load %arg7[%get3A_360, %get3A_361] {strides = array<i32>} : memref<8x768xf32, #tpu.memory_space<vmem>>, vector<1x16xf32>,
      %get3A_363 = vector.shape_cast %get3A_362 : vector<1x16xf32> to vector<16xf32>
      %get3A_364 = arith.index_cast %sub3A_192 : i32 to index
      %get3A_365 = arith.constant 592 : index
      %get3A_366 = tpu.vector_load %arg7[%get3A_364, %get3A_365] {strides = array<i32>} : memref<8x768xf32, #tpu.memory_space<vmem>>, vector<1x16xf32>,
      %get3A_367 = vector.shape_cast %get3A_366 : vector<1x16xf32> to vector<16xf32>
      %get3A_368 = arith.index_cast %sub3A_192 : i32 to index
      %get3A_369 = arith.constant 608 : index
      %get3A_370 = tpu.vector_load %arg7[%get3A_368, %get3A_369] {strides = array<i32>} : memref<8x768xf32, #tpu.memory_space<vmem>>, vector<1x16xf32>,
      %get3A_371 = vector.shape_cast %get3A_370 : vector<1x16xf32> to vector<16xf32>
      %get3A_372 = arith.index_cast %sub3A_192 : i32 to index
      %get3A_373 = arith.constant 624 : index
      %get3A_374 = tpu.vector_load %arg7[%get3A_372, %get3A_373] {strides = array<i32>} : memref<8x768xf32, #tpu.memory_space<vmem>>, vector<1x16xf32>,
      %get3A_375 = vector.shape_cast %get3A_374 : vector<1x16xf32> to vector<16xf32>
      %scan3A_376 = arith.constant 0 : i32
      %scan3A_377 = arith.constant 0 : i32
      %scan3A_378 = arith.constant 32 : i32
      %scan3A_379 = arith.addi %scan3A_377, %scan3A_378 : i32
      %scan3A_380 = arith.constant 2 : i32
      scf.for %scan3A_441 = %scan3A_377 to %scan3A_379 step %scan3A_380  : i32 {
        %swap3A = arith.index_cast %rem3A_150 : i32 to index
        %swap3A_442 = arith.index_cast %scan3A_441 : i32 to index
        %swap3A_443 = arith.constant 512 : index
        %swap3A_444 = tpu.vector_load %arg8[%swap3A, %swap3A_442, %swap3A_443] {strides = array<i32>} : memref<4x32x768xf32, #tpu.memory_space<vmem>>, vector<1x1x16xf32>,
        %swap3A_445 = vector.shape_cast %swap3A_444 : vector<1x1x16xf32> to vector<16xf32>
        %swap3A_446 = vector.shape_cast %get3A_347 : vector<16xf32> to vector<1x1x16xf32>
        tpu.vector_store %arg8[%swap3A, %swap3A_442, %swap3A_443], %swap3A_446 {add = true, strides = array<i32>} : memref<4x32x768xf32, #tpu.memory_space<vmem>>, vector<1x1x16xf32>,
        %swap3A_447 = arith.index_cast %rem3A_150 : i32 to index
        %swap3A_448 = arith.index_cast %scan3A_441 : i32 to index
        %swap3A_449 = arith.constant 528 : index
        %swap3A_450 = tpu.vector_load %arg8[%swap3A_447, %swap3A_448, %swap3A_449] {strides = array<i32>} : memref<4x32x768xf32, #tpu.memory_space<vmem>>, vector<1x1x16xf32>,
        %swap3A_451 = vector.shape_cast %swap3A_450 : vector<1x1x16xf32> to vector<16xf32>
        %swap3A_452 = vector.shape_cast %get3A_351 : vector<16xf32> to vector<1x1x16xf32>
        tpu.vector_store %arg8[%swap3A_447, %swap3A_448, %swap3A_449], %swap3A_452 {add = true, strides = array<i32>} : memref<4x32x768xf32, #tpu.memory_space<vmem>>, vector<1x1x16xf32>,
        %swap3A_453 = arith.index_cast %rem3A_150 : i32 to index
        %swap3A_454 = arith.index_cast %scan3A_441 : i32 to index
        %swap3A_455 = arith.constant 544 : index
        %swap3A_456 = tpu.vector_load %arg8[%swap3A_453, %swap3A_454, %swap3A_455] {strides = array<i32>} : memref<4x32x768xf32, #tpu.memory_space<vmem>>, vector<1x1x16xf32>,
        %swap3A_457 = vector.shape_cast %swap3A_456 : vector<1x1x16xf32> to vector<16xf32>
        %swap3A_458 = vector.shape_cast %get3A_355 : vector<16xf32> to vector<1x1x16xf32>
        tpu.vector_store %arg8[%swap3A_453, %swap3A_454, %swap3A_455], %swap3A_458 {add = true, strides = array<i32>} : memref<4x32x768xf32, #tpu.memory_space<vmem>>, vector<1x1x16xf32>,
        %swap3A_459 = arith.index_cast %rem3A_150 : i32 to index
        %swap3A_460 = arith.index_cast %scan3A_441 : i32 to index
        %swap3A_461 = arith.constant 560 : index
        %swap3A_462 = tpu.vector_load %arg8[%swap3A_459, %swap3A_460, %swap3A_461] {strides = array<i32>} : memref<4x32x768xf32, #tpu.memory_space<vmem>>, vector<1x1x16xf32>,
        %swap3A_463 = vector.shape_cast %swap3A_462 : vector<1x1x16xf32> to vector<16xf32>
        %swap3A_464 = vector.shape_cast %get3A_359 : vector<16xf32> to vector<1x1x16xf32>
        tpu.vector_store %arg8[%swap3A_459, %swap3A_460, %swap3A_461], %swap3A_464 {add = true, strides = array<i32>} : memref<4x32x768xf32, #tpu.memory_space<vmem>>, vector<1x1x16xf32>,
        %swap3A_465 = arith.index_cast %rem3A_150 : i32 to index
        %swap3A_466 = arith.index_cast %scan3A_441 : i32 to index
        %swap3A_467 = arith.constant 576 : index
        %swap3A_468 = tpu.vector_load %arg8[%swap3A_465, %swap3A_466, %swap3A_467] {strides = array<i32>} : memref<4x32x768xf32, #tpu.memory_space<vmem>>, vector<1x1x16xf32>,
        %swap3A_469 = vector.shape_cast %swap3A_468 : vector<1x1x16xf32> to vector<16xf32>
        %swap3A_470 = vector.shape_cast %get3A_363 : vector<16xf32> to vector<1x1x16xf32>
        tpu.vector_store %arg8[%swap3A_465, %swap3A_466, %swap3A_467], %swap3A_470 {add = true, strides = array<i32>} : memref<4x32x768xf32, #tpu.memory_space<vmem>>, vector<1x1x16xf32>,
        %swap3A_471 = arith.index_cast %rem3A_150 : i32 to index
        %swap3A_472 = arith.index_cast %scan3A_441 : i32 to index
        %swap3A_473 = arith.constant 592 : index
        %swap3A_474 = tpu.vector_load %arg8[%swap3A_471, %swap3A_472, %swap3A_473] {strides = array<i32>} : memref<4x32x768xf32, #tpu.memory_space<vmem>>, vector<1x1x16xf32>,
        %swap3A_475 = vector.shape_cast %swap3A_474 : vector<1x1x16xf32> to vector<16xf32>
        %swap3A_476 = vector.shape_cast %get3A_367 : vector<16xf32> to vector<1x1x16xf32>
        tpu.vector_store %arg8[%swap3A_471, %swap3A_472, %swap3A_473], %swap3A_476 {add = true, strides = array<i32>} : memref<4x32x768xf32, #tpu.memory_space<vmem>>, vector<1x1x16xf32>,
        %swap3A_477 = arith.index_cast %rem3A_150 : i32 to index
        %swap3A_478 = arith.index_cast %scan3A_441 : i32 to index
        %swap3A_479 = arith.constant 608 : index
        %swap3A_480 = tpu.vector_load %arg8[%swap3A_477, %swap3A_478, %swap3A_479] {strides = array<i32>} : memref<4x32x768xf32, #tpu.memory_space<vmem>>, vector<1x1x16xf32>,
        %swap3A_481 = vector.shape_cast %swap3A_480 : vector<1x1x16xf32> to vector<16xf32>
        %swap3A_482 = vector.shape_cast %get3A_371 : vector<16xf32> to vector<1x1x16xf32>
        tpu.vector_store %arg8[%swap3A_477, %swap3A_478, %swap3A_479], %swap3A_482 {add = true, strides = array<i32>} : memref<4x32x768xf32, #tpu.memory_space<vmem>>, vector<1x1x16xf32>,
        %swap3A_483 = arith.index_cast %rem3A_150 : i32 to index
        %swap3A_484 = arith.index_cast %scan3A_441 : i32 to index
        %swap3A_485 = arith.constant 624 : index
        %swap3A_486 = tpu.vector_load %arg8[%swap3A_483, %swap3A_484, %swap3A_485] {strides = array<i32>} : memref<4x32x768xf32, #tpu.memory_space<vmem>>, vector<1x1x16xf32>,
        %swap3A_487 = vector.shape_cast %swap3A_486 : vector<1x1x16xf32> to vector<16xf32>
        %swap3A_488 = vector.shape_cast %get3A_375 : vector<16xf32> to vector<1x1x16xf32>
        tpu.vector_store %arg8[%swap3A_483, %swap3A_484, %swap3A_485], %swap3A_488 {add = true, strides = array<i32>} : memref<4x32x768xf32, #tpu.memory_space<vmem>>, vector<1x1x16xf32>,
        %scan3A_489 = arith.constant 1 : i32
        %scan3A_490 = arith.addi %scan3A_441, %scan3A_489 : i32
        %swap3A_491 = arith.index_cast %rem3A_150 : i32 to index
        %swap3A_492 = arith.index_cast %scan3A_490 : i32 to index
        %swap3A_493 = arith.constant 512 : index
        %swap3A_494 = tpu.vector_load %arg8[%swap3A_491, %swap3A_492, %swap3A_493] {strides = array<i32>} : memref<4x32x768xf32, #tpu.memory_space<vmem>>, vector<1x1x16xf32>,
        %swap3A_495 = vector.shape_cast %swap3A_494 : vector<1x1x16xf32> to vector<16xf32>
        %swap3A_496 = vector.shape_cast %get3A_347 : vector<16xf32> to vector<1x1x16xf32>
        tpu.vector_store %arg8[%swap3A_491, %swap3A_492, %swap3A_493], %swap3A_496 {add = true, strides = array<i32>} : memref<4x32x768xf32, #tpu.memory_space<vmem>>, vector<1x1x16xf32>,
        %swap3A_497 = arith.index_cast %rem3A_150 : i32 to index
        %swap3A_498 = arith.index_cast %scan3A_490 : i32 to index
        %swap3A_499 = arith.constant 528 : index
        %swap3A_500 = tpu.vector_load %arg8[%swap3A_497, %swap3A_498, %swap3A_499] {strides = array<i32>} : memref<4x32x768xf32, #tpu.memory_space<vmem>>, vector<1x1x16xf32>,
        %swap3A_501 = vector.shape_cast %swap3A_500 : vector<1x1x16xf32> to vector<16xf32>
        %swap3A_502 = vector.shape_cast %get3A_351 : vector<16xf32> to vector<1x1x16xf32>
        tpu.vector_store %arg8[%swap3A_497, %swap3A_498, %swap3A_499], %swap3A_502 {add = true, strides = array<i32>} : memref<4x32x768xf32, #tpu.memory_space<vmem>>, vector<1x1x16xf32>,
        %swap3A_503 = arith.index_cast %rem3A_150 : i32 to index
        %swap3A_504 = arith.index_cast %scan3A_490 : i32 to index
        %swap3A_505 = arith.constant 544 : index
        %swap3A_506 = tpu.vector_load %arg8[%swap3A_503, %swap3A_504, %swap3A_505] {strides = array<i32>} : memref<4x32x768xf32, #tpu.memory_space<vmem>>, vector<1x1x16xf32>,
        %swap3A_507 = vector.shape_cast %swap3A_506 : vector<1x1x16xf32> to vector<16xf32>
        %swap3A_508 = vector.shape_cast %get3A_355 : vector<16xf32> to vector<1x1x16xf32>
        tpu.vector_store %arg8[%swap3A_503, %swap3A_504, %swap3A_505], %swap3A_508 {add = true, strides = array<i32>} : memref<4x32x768xf32, #tpu.memory_space<vmem>>, vector<1x1x16xf32>,
        %swap3A_509 = arith.index_cast %rem3A_150 : i32 to index
        %swap3A_510 = arith.index_cast %scan3A_490 : i32 to index
        %swap3A_511 = arith.constant 560 : index
        %swap3A_512 = tpu.vector_load %arg8[%swap3A_509, %swap3A_510, %swap3A_511] {strides = array<i32>} : memref<4x32x768xf32, #tpu.memory_space<vmem>>, vector<1x1x16xf32>,
        %swap3A_513 = vector.shape_cast %swap3A_512 : vector<1x1x16xf32> to vector<16xf32>
        %swap3A_514 = vector.shape_cast %get3A_359 : vector<16xf32> to vector<1x1x16xf32>
        tpu.vector_store %arg8[%swap3A_509, %swap3A_510, %swap3A_511], %swap3A_514 {add = true, strides = array<i32>} : memref<4x32x768xf32, #tpu.memory_space<vmem>>, vector<1x1x16xf32>,
        %swap3A_515 = arith.index_cast %rem3A_150 : i32 to index
        %swap3A_516 = arith.index_cast %scan3A_490 : i32 to index
        %swap3A_517 = arith.constant 576 : index
        %swap3A_518 = tpu.vector_load %arg8[%swap3A_515, %swap3A_516, %swap3A_517] {strides = array<i32>} : memref<4x32x768xf32, #tpu.memory_space<vmem>>, vector<1x1x16xf32>,
        %swap3A_519 = vector.shape_cast %swap3A_518 : vector<1x1x16xf32> to vector<16xf32>
        %swap3A_520 = vector.shape_cast %get3A_363 : vector<16xf32> to vector<1x1x16xf32>
        tpu.vector_store %arg8[%swap3A_515, %swap3A_516, %swap3A_517], %swap3A_520 {add = true, strides = array<i32>} : memref<4x32x768xf32, #tpu.memory_space<vmem>>, vector<1x1x16xf32>,
        %swap3A_521 = arith.index_cast %rem3A_150 : i32 to index
        %swap3A_522 = arith.index_cast %scan3A_490 : i32 to index
        %swap3A_523 = arith.constant 592 : index
        %swap3A_524 = tpu.vector_load %arg8[%swap3A_521, %swap3A_522, %swap3A_523] {strides = array<i32>} : memref<4x32x768xf32, #tpu.memory_space<vmem>>, vector<1x1x16xf32>,
        %swap3A_525 = vector.shape_cast %swap3A_524 : vector<1x1x16xf32> to vector<16xf32>
        %swap3A_526 = vector.shape_cast %get3A_367 : vector<16xf32> to vector<1x1x16xf32>
        tpu.vector_store %arg8[%swap3A_521, %swap3A_522, %swap3A_523], %swap3A_526 {add = true, strides = array<i32>} : memref<4x32x768xf32, #tpu.memory_space<vmem>>, vector<1x1x16xf32>,
        %swap3A_527 = arith.index_cast %rem3A_150 : i32 to index
        %swap3A_528 = arith.index_cast %scan3A_490 : i32 to index
        %swap3A_529 = arith.constant 608 : index
        %swap3A_530 = tpu.vector_load %arg8[%swap3A_527, %swap3A_528, %swap3A_529] {strides = array<i32>} : memref<4x32x768xf32, #tpu.memory_space<vmem>>, vector<1x1x16xf32>,
        %swap3A_531 = vector.shape_cast %swap3A_530 : vector<1x1x16xf32> to vector<16xf32>
        %swap3A_532 = vector.shape_cast %get3A_371 : vector<16xf32> to vector<1x1x16xf32>
        tpu.vector_store %arg8[%swap3A_527, %swap3A_528, %swap3A_529], %swap3A_532 {add = true, strides = array<i32>} : memref<4x32x768xf32, #tpu.memory_space<vmem>>, vector<1x1x16xf32>,
        %swap3A_533 = arith.index_cast %rem3A_150 : i32 to index
        %swap3A_534 = arith.index_cast %scan3A_490 : i32 to index
        %swap3A_535 = arith.constant 624 : index
        %swap3A_536 = tpu.vector_load %arg8[%swap3A_533, %swap3A_534, %swap3A_535] {strides = array<i32>} : memref<4x32x768xf32, #tpu.memory_space<vmem>>, vector<1x1x16xf32>,
        %swap3A_537 = vector.shape_cast %swap3A_536 : vector<1x1x16xf32> to vector<16xf32>
        %swap3A_538 = vector.shape_cast %get3A_375 : vector<16xf32> to vector<1x1x16xf32>
        tpu.vector_store %arg8[%swap3A_533, %swap3A_534, %swap3A_535], %swap3A_538 {add = true, strides = array<i32>} : memref<4x32x768xf32, #tpu.memory_space<vmem>>, vector<1x1x16xf32>,
      }
      %scan3A_381 = arith.constant 32 : i32
      %get3A_382 = arith.index_cast %sub3A_192 : i32 to index
      %get3A_383 = arith.constant 640 : index
      %get3A_384 = tpu.vector_load %arg7[%get3A_382, %get3A_383] {strides = array<i32>} : memref<8x768xf32, #tpu.memory_space<vmem>>, vector<1x16xf32>,
      %get3A_385 = vector.shape_cast %get3A_384 : vector<1x16xf32> to vector<16xf32>
      %get3A_386 = arith.index_cast %sub3A_192 : i32 to index
      %get3A_387 = arith.constant 656 : index
      %get3A_388 = tpu.vector_load %arg7[%get3A_386, %get3A_387] {strides = array<i32>} : memref<8x768xf32, #tpu.memory_space<vmem>>, vector<1x16xf32>,
      %get3A_389 = vector.shape_cast %get3A_388 : vector<1x16xf32> to vector<16xf32>
      %get3A_390 = arith.index_cast %sub3A_192 : i32 to index
      %get3A_391 = arith.constant 672 : index
      %get3A_392 = tpu.vector_load %arg7[%get3A_390, %get3A_391] {strides = array<i32>} : memref<8x768xf32, #tpu.memory_space<vmem>>, vector<1x16xf32>,
      %get3A_393 = vector.shape_cast %get3A_392 : vector<1x16xf32> to vector<16xf32>
      %get3A_394 = arith.index_cast %sub3A_192 : i32 to index
      %get3A_395 = arith.constant 688 : index
      %get3A_396 = tpu.vector_load %arg7[%get3A_394, %get3A_395] {strides = array<i32>} : memref<8x768xf32, #tpu.memory_space<vmem>>, vector<1x16xf32>,
      %get3A_397 = vector.shape_cast %get3A_396 : vector<1x16xf32> to vector<16xf32>
      %get3A_398 = arith.index_cast %sub3A_192 : i32 to index
      %get3A_399 = arith.constant 704 : index
      %get3A_400 = tpu.vector_load %arg7[%get3A_398, %get3A_399] {strides = array<i32>} : memref<8x768xf32, #tpu.memory_space<vmem>>, vector<1x16xf32>,
      %get3A_401 = vector.shape_cast %get3A_400 : vector<1x16xf32> to vector<16xf32>
      %get3A_402 = arith.index_cast %sub3A_192 : i32 to index
      %get3A_403 = arith.constant 720 : index
      %get3A_404 = tpu.vector_load %arg7[%get3A_402, %get3A_403] {strides = array<i32>} : memref<8x768xf32, #tpu.memory_space<vmem>>, vector<1x16xf32>,
      %get3A_405 = vector.shape_cast %get3A_404 : vector<1x16xf32> to vector<16xf32>
      %get3A_406 = arith.index_cast %sub3A_192 : i32 to index
      %get3A_407 = arith.constant 736 : index
      %get3A_408 = tpu.vector_load %arg7[%get3A_406, %get3A_407] {strides = array<i32>} : memref<8x768xf32, #tpu.memory_space<vmem>>, vector<1x16xf32>,
      %get3A_409 = vector.shape_cast %get3A_408 : vector<1x16xf32> to vector<16xf32>
      %get3A_410 = arith.index_cast %sub3A_192 : i32 to index
      %get3A_411 = arith.constant 752 : index
      %get3A_412 = tpu.vector_load %arg7[%get3A_410, %get3A_411] {strides = array<i32>} : memref<8x768xf32, #tpu.memory_space<vmem>>, vector<1x16xf32>,
      %get3A_413 = vector.shape_cast %get3A_412 : vector<1x16xf32> to vector<16xf32>
      %scan3A_414 = arith.constant 0 : i32
      %scan3A_415 = arith.constant 0 : i32
      %scan3A_416 = arith.constant 32 : i32
      %scan3A_417 = arith.addi %scan3A_415, %scan3A_416 : i32
      %scan3A_418 = arith.constant 2 : i32
      scf.for %scan3A_441 = %scan3A_415 to %scan3A_417 step %scan3A_418  : i32 {
        %swap3A = arith.index_cast %rem3A_150 : i32 to index
        %swap3A_442 = arith.index_cast %scan3A_441 : i32 to index
        %swap3A_443 = arith.constant 640 : index
        %swap3A_444 = tpu.vector_load %arg8[%swap3A, %swap3A_442, %swap3A_443] {strides = array<i32>} : memref<4x32x768xf32, #tpu.memory_space<vmem>>, vector<1x1x16xf32>,
        %swap3A_445 = vector.shape_cast %swap3A_444 : vector<1x1x16xf32> to vector<16xf32>
        %swap3A_446 = vector.shape_cast %get3A_385 : vector<16xf32> to vector<1x1x16xf32>
        tpu.vector_store %arg8[%swap3A, %swap3A_442, %swap3A_443], %swap3A_446 {add = true, strides = array<i32>} : memref<4x32x768xf32, #tpu.memory_space<vmem>>, vector<1x1x16xf32>,
        %swap3A_447 = arith.index_cast %rem3A_150 : i32 to index
        %swap3A_448 = arith.index_cast %scan3A_441 : i32 to index
        %swap3A_449 = arith.constant 656 : index
        %swap3A_450 = tpu.vector_load %arg8[%swap3A_447, %swap3A_448, %swap3A_449] {strides = array<i32>} : memref<4x32x768xf32, #tpu.memory_space<vmem>>, vector<1x1x16xf32>,
        %swap3A_451 = vector.shape_cast %swap3A_450 : vector<1x1x16xf32> to vector<16xf32>
        %swap3A_452 = vector.shape_cast %get3A_389 : vector<16xf32> to vector<1x1x16xf32>
        tpu.vector_store %arg8[%swap3A_447, %swap3A_448, %swap3A_449], %swap3A_452 {add = true, strides = array<i32>} : memref<4x32x768xf32, #tpu.memory_space<vmem>>, vector<1x1x16xf32>,
        %swap3A_453 = arith.index_cast %rem3A_150 : i32 to index
        %swap3A_454 = arith.index_cast %scan3A_441 : i32 to index
        %swap3A_455 = arith.constant 672 : index
        %swap3A_456 = tpu.vector_load %arg8[%swap3A_453, %swap3A_454, %swap3A_455] {strides = array<i32>} : memref<4x32x768xf32, #tpu.memory_space<vmem>>, vector<1x1x16xf32>,
        %swap3A_457 = vector.shape_cast %swap3A_456 : vector<1x1x16xf32> to vector<16xf32>
        %swap3A_458 = vector.shape_cast %get3A_393 : vector<16xf32> to vector<1x1x16xf32>
        tpu.vector_store %arg8[%swap3A_453, %swap3A_454, %swap3A_455], %swap3A_458 {add = true, strides = array<i32>} : memref<4x32x768xf32, #tpu.memory_space<vmem>>, vector<1x1x16xf32>,
        %swap3A_459 = arith.index_cast %rem3A_150 : i32 to index
        %swap3A_460 = arith.index_cast %scan3A_441 : i32 to index
        %swap3A_461 = arith.constant 688 : index
        %swap3A_462 = tpu.vector_load %arg8[%swap3A_459, %swap3A_460, %swap3A_461] {strides = array<i32>} : memref<4x32x768xf32, #tpu.memory_space<vmem>>, vector<1x1x16xf32>,
        %swap3A_463 = vector.shape_cast %swap3A_462 : vector<1x1x16xf32> to vector<16xf32>
        %swap3A_464 = vector.shape_cast %get3A_397 : vector<16xf32> to vector<1x1x16xf32>
        tpu.vector_store %arg8[%swap3A_459, %swap3A_460, %swap3A_461], %swap3A_464 {add = true, strides = array<i32>} : memref<4x32x768xf32, #tpu.memory_space<vmem>>, vector<1x1x16xf32>,
        %swap3A_465 = arith.index_cast %rem3A_150 : i32 to index
        %swap3A_466 = arith.index_cast %scan3A_441 : i32 to index
        %swap3A_467 = arith.constant 704 : index
        %swap3A_468 = tpu.vector_load %arg8[%swap3A_465, %swap3A_466, %swap3A_467] {strides = array<i32>} : memref<4x32x768xf32, #tpu.memory_space<vmem>>, vector<1x1x16xf32>,
        %swap3A_469 = vector.shape_cast %swap3A_468 : vector<1x1x16xf32> to vector<16xf32>
        %swap3A_470 = vector.shape_cast %get3A_401 : vector<16xf32> to vector<1x1x16xf32>
        tpu.vector_store %arg8[%swap3A_465, %swap3A_466, %swap3A_467], %swap3A_470 {add = true, strides = array<i32>} : memref<4x32x768xf32, #tpu.memory_space<vmem>>, vector<1x1x16xf32>,
        %swap3A_471 = arith.index_cast %rem3A_150 : i32 to index
        %swap3A_472 = arith.index_cast %scan3A_441 : i32 to index
        %swap3A_473 = arith.constant 720 : index
        %swap3A_474 = tpu.vector_load %arg8[%swap3A_471, %swap3A_472, %swap3A_473] {strides = array<i32>} : memref<4x32x768xf32, #tpu.memory_space<vmem>>, vector<1x1x16xf32>,
        %swap3A_475 = vector.shape_cast %swap3A_474 : vector<1x1x16xf32> to vector<16xf32>
        %swap3A_476 = vector.shape_cast %get3A_405 : vector<16xf32> to vector<1x1x16xf32>
        tpu.vector_store %arg8[%swap3A_471, %swap3A_472, %swap3A_473], %swap3A_476 {add = true, strides = array<i32>} : memref<4x32x768xf32, #tpu.memory_space<vmem>>, vector<1x1x16xf32>,
        %swap3A_477 = arith.index_cast %rem3A_150 : i32 to index
        %swap3A_478 = arith.index_cast %scan3A_441 : i32 to index
        %swap3A_479 = arith.constant 736 : index
        %swap3A_480 = tpu.vector_load %arg8[%swap3A_477, %swap3A_478, %swap3A_479] {strides = array<i32>} : memref<4x32x768xf32, #tpu.memory_space<vmem>>, vector<1x1x16xf32>,
        %swap3A_481 = vector.shape_cast %swap3A_480 : vector<1x1x16xf32> to vector<16xf32>
        %swap3A_482 = vector.shape_cast %get3A_409 : vector<16xf32> to vector<1x1x16xf32>
        tpu.vector_store %arg8[%swap3A_477, %swap3A_478, %swap3A_479], %swap3A_482 {add = true, strides = array<i32>} : memref<4x32x768xf32, #tpu.memory_space<vmem>>, vector<1x1x16xf32>,
        %swap3A_483 = arith.index_cast %rem3A_150 : i32 to index
        %swap3A_484 = arith.index_cast %scan3A_441 : i32 to index
        %swap3A_485 = arith.constant 752 : index
        %swap3A_486 = tpu.vector_load %arg8[%swap3A_483, %swap3A_484, %swap3A_485] {strides = array<i32>} : memref<4x32x768xf32, #tpu.memory_space<vmem>>, vector<1x1x16xf32>,
        %swap3A_487 = vector.shape_cast %swap3A_486 : vector<1x1x16xf32> to vector<16xf32>
        %swap3A_488 = vector.shape_cast %get3A_413 : vector<16xf32> to vector<1x1x16xf32>
        tpu.vector_store %arg8[%swap3A_483, %swap3A_484, %swap3A_485], %swap3A_488 {add = true, strides = array<i32>} : memref<4x32x768xf32, #tpu.memory_space<vmem>>, vector<1x1x16xf32>,
        %scan3A_489 = arith.constant 1 : i32
        %scan3A_490 = arith.addi %scan3A_441, %scan3A_489 : i32
        %swap3A_491 = arith.index_cast %rem3A_150 : i32 to index
        %swap3A_492 = arith.index_cast %scan3A_490 : i32 to index
        %swap3A_493 = arith.constant 640 : index
        %swap3A_494 = tpu.vector_load %arg8[%swap3A_491, %swap3A_492, %swap3A_493] {strides = array<i32>} : memref<4x32x768xf32, #tpu.memory_space<vmem>>, vector<1x1x16xf32>,
        %swap3A_495 = vector.shape_cast %swap3A_494 : vector<1x1x16xf32> to vector<16xf32>
        %swap3A_496 = vector.shape_cast %get3A_385 : vector<16xf32> to vector<1x1x16xf32>
        tpu.vector_store %arg8[%swap3A_491, %swap3A_492, %swap3A_493], %swap3A_496 {add = true, strides = array<i32>} : memref<4x32x768xf32, #tpu.memory_space<vmem>>, vector<1x1x16xf32>,
        %swap3A_497 = arith.index_cast %rem3A_150 : i32 to index
        %swap3A_498 = arith.index_cast %scan3A_490 : i32 to index
        %swap3A_499 = arith.constant 656 : index
        %swap3A_500 = tpu.vector_load %arg8[%swap3A_497, %swap3A_498, %swap3A_499] {strides = array<i32>} : memref<4x32x768xf32, #tpu.memory_space<vmem>>, vector<1x1x16xf32>,
        %swap3A_501 = vector.shape_cast %swap3A_500 : vector<1x1x16xf32> to vector<16xf32>
        %swap3A_502 = vector.shape_cast %get3A_389 : vector<16xf32> to vector<1x1x16xf32>
        tpu.vector_store %arg8[%swap3A_497, %swap3A_498, %swap3A_499], %swap3A_502 {add = true, strides = array<i32>} : memref<4x32x768xf32, #tpu.memory_space<vmem>>, vector<1x1x16xf32>,
        %swap3A_503 = arith.index_cast %rem3A_150 : i32 to index
        %swap3A_504 = arith.index_cast %scan3A_490 : i32 to index
        %swap3A_505 = arith.constant 672 : index
        %swap3A_506 = tpu.vector_load %arg8[%swap3A_503, %swap3A_504, %swap3A_505] {strides = array<i32>} : memref<4x32x768xf32, #tpu.memory_space<vmem>>, vector<1x1x16xf32>,
        %swap3A_507 = vector.shape_cast %swap3A_506 : vector<1x1x16xf32> to vector<16xf32>
        %swap3A_508 = vector.shape_cast %get3A_393 : vector<16xf32> to vector<1x1x16xf32>
        tpu.vector_store %arg8[%swap3A_503, %swap3A_504, %swap3A_505], %swap3A_508 {add = true, strides = array<i32>} : memref<4x32x768xf32, #tpu.memory_space<vmem>>, vector<1x1x16xf32>,
        %swap3A_509 = arith.index_cast %rem3A_150 : i32 to index
        %swap3A_510 = arith.index_cast %scan3A_490 : i32 to index
        %swap3A_511 = arith.constant 688 : index
        %swap3A_512 = tpu.vector_load %arg8[%swap3A_509, %swap3A_510, %swap3A_511] {strides = array<i32>} : memref<4x32x768xf32, #tpu.memory_space<vmem>>, vector<1x1x16xf32>,
        %swap3A_513 = vector.shape_cast %swap3A_512 : vector<1x1x16xf32> to vector<16xf32>
        %swap3A_514 = vector.shape_cast %get3A_397 : vector<16xf32> to vector<1x1x16xf32>
        tpu.vector_store %arg8[%swap3A_509, %swap3A_510, %swap3A_511], %swap3A_514 {add = true, strides = array<i32>} : memref<4x32x768xf32, #tpu.memory_space<vmem>>, vector<1x1x16xf32>,
        %swap3A_515 = arith.index_cast %rem3A_150 : i32 to index
        %swap3A_516 = arith.index_cast %scan3A_490 : i32 to index
        %swap3A_517 = arith.constant 704 : index
        %swap3A_518 = tpu.vector_load %arg8[%swap3A_515, %swap3A_516, %swap3A_517] {strides = array<i32>} : memref<4x32x768xf32, #tpu.memory_space<vmem>>, vector<1x1x16xf32>,
        %swap3A_519 = vector.shape_cast %swap3A_518 : vector<1x1x16xf32> to vector<16xf32>
        %swap3A_520 = vector.shape_cast %get3A_401 : vector<16xf32> to vector<1x1x16xf32>
        tpu.vector_store %arg8[%swap3A_515, %swap3A_516, %swap3A_517], %swap3A_520 {add = true, strides = array<i32>} : memref<4x32x768xf32, #tpu.memory_space<vmem>>, vector<1x1x16xf32>,
        %swap3A_521 = arith.index_cast %rem3A_150 : i32 to index
        %swap3A_522 = arith.index_cast %scan3A_490 : i32 to index
        %swap3A_523 = arith.constant 720 : index
        %swap3A_524 = tpu.vector_load %arg8[%swap3A_521, %swap3A_522, %swap3A_523] {strides = array<i32>} : memref<4x32x768xf32, #tpu.memory_space<vmem>>, vector<1x1x16xf32>,
        %swap3A_525 = vector.shape_cast %swap3A_524 : vector<1x1x16xf32> to vector<16xf32>
        %swap3A_526 = vector.shape_cast %get3A_405 : vector<16xf32> to vector<1x1x16xf32>
        tpu.vector_store %arg8[%swap3A_521, %swap3A_522, %swap3A_523], %swap3A_526 {add = true, strides = array<i32>} : memref<4x32x768xf32, #tpu.memory_space<vmem>>, vector<1x1x16xf32>,
        %swap3A_527 = arith.index_cast %rem3A_150 : i32 to index
        %swap3A_528 = arith.index_cast %scan3A_490 : i32 to index
        %swap3A_529 = arith.constant 736 : index
        %swap3A_530 = tpu.vector_load %arg8[%swap3A_527, %swap3A_528, %swap3A_529] {strides = array<i32>} : memref<4x32x768xf32, #tpu.memory_space<vmem>>, vector<1x1x16xf32>,
        %swap3A_531 = vector.shape_cast %swap3A_530 : vector<1x1x16xf32> to vector<16xf32>
        %swap3A_532 = vector.shape_cast %get3A_409 : vector<16xf32> to vector<1x1x16xf32>
        tpu.vector_store %arg8[%swap3A_527, %swap3A_528, %swap3A_529], %swap3A_532 {add = true, strides = array<i32>} : memref<4x32x768xf32, #tpu.memory_space<vmem>>, vector<1x1x16xf32>,
        %swap3A_533 = arith.index_cast %rem3A_150 : i32 to index
        %swap3A_534 = arith.index_cast %scan3A_490 : i32 to index
        %swap3A_535 = arith.constant 752 : index
        %swap3A_536 = tpu.vector_load %arg8[%swap3A_533, %swap3A_534, %swap3A_535] {strides = array<i32>} : memref<4x32x768xf32, #tpu.memory_space<vmem>>, vector<1x1x16xf32>,
        %swap3A_537 = vector.shape_cast %swap3A_536 : vector<1x1x16xf32> to vector<16xf32>
        %swap3A_538 = vector.shape_cast %get3A_413 : vector<16xf32> to vector<1x1x16xf32>
        tpu.vector_store %arg8[%swap3A_533, %swap3A_534, %swap3A_535], %swap3A_538 {add = true, strides = array<i32>} : memref<4x32x768xf32, #tpu.memory_space<vmem>>, vector<1x1x16xf32>,
      }
      %scan3A_419 = arith.constant 32 : i32
      %dma_start3A_420 = arith.constant 0 : i32
      %dma_start3A_421 = arith.constant 0 : i32
      %dma_start3A_422 = tpu.memref_slice %arg8[%rem3A_150, %dma_start3A_420, %dma_start3A_421] : memref<4x32x768xf32, #tpu.memory_space<vmem>> -> memref<1x32x768xf32, #tpu.memory_space<vmem>>
      %dma_start3A_423 = tpu.memref_squeeze %dma_start3A_422 : memref<1x32x768xf32, #tpu.memory_space<vmem>> -> memref<32x768xf32, #tpu.memory_space<vmem>>
      %dma_start3A_424 = arith.constant 0 : i32
      %dma_start3A_425 = tpu.memref_slice %arg5[%select_n3A_177, %rem3A_179, %dma_start3A_424] : memref<77x1024x768xf32, #tpu.memory_space<hbm>> -> memref<1x32x768xf32, #tpu.memory_space<hbm>>
      %dma_start3A_426 = tpu.memref_squeeze %dma_start3A_425 : memref<1x32x768xf32, #tpu.memory_space<hbm>> -> memref<32x768xf32, #tpu.memory_space<hbm>>
      %dma_start3A_427 = tpu.memref_slice %arg12[%rem3A_150] : memref<4x!tpu.dma_semaphore, #tpu.memory_space<semaphore_mem>> -> memref<1x!tpu.dma_semaphore, #tpu.memory_space<semaphore_mem>>
      %dma_start3A_428 = tpu.memref_squeeze %dma_start3A_427 : memref<1x!tpu.dma_semaphore, #tpu.memory_space<semaphore_mem>> -> memref<!tpu.dma_semaphore, #tpu.memory_space<semaphore_mem>>
      %dma_start3A_429 = arith.constant 0 : i32
      %dma_start3A_430 = tpu.memref_slice %arg5[%select_n3A_177, %rem3A_179, %dma_start3A_429] : memref<77x1024x768xf32, #tpu.memory_space<hbm>> -> memref<1x32x768xf32, #tpu.memory_space<hbm>>
      %dma_start3A_431 = tpu.memref_squeeze %dma_start3A_430 : memref<1x32x768xf32, #tpu.memory_space<hbm>> -> memref<32x768xf32, #tpu.memory_space<hbm>>
      %dma_start3A_432 = arith.constant 0 : i32
      %dma_start3A_433 = arith.constant 0 : i32
      %dma_start3A_434 = tpu.memref_slice %arg8[%rem3A_150, %dma_start3A_432, %dma_start3A_433] : memref<4x32x768xf32, #tpu.memory_space<vmem>> -> memref<1x32x768xf32, #tpu.memory_space<vmem>>
      %dma_start3A_435 = tpu.memref_squeeze %dma_start3A_434 : memref<1x32x768xf32, #tpu.memory_space<vmem>> -> memref<32x768xf32, #tpu.memory_space<vmem>>
      tpu.enqueue_dma source(%dma_start3A_435 : memref<32x768xf32, #tpu.memory_space<vmem>>) target(%dma_start3A_431 : memref<32x768xf32, #tpu.memory_space<hbm>>) target_semaphore(%dma_start3A_428 : memref<!tpu.dma_semaphore, #tpu.memory_space<semaphore_mem>>)
      %add3A_436 = arith.constant 2 : i32
      %add3A_437 = arith.addi %scan3A_147, %add3A_436 : i32
      %lt3A = arith.constant 77 : i32
      %lt3A_438 = arith.cmpi slt, %add3A_437, %lt3A : i32
      %convert_element_type3A = arith.extui %lt3A_438 : i1 to i32
      %cond3A = arith.constant 0 : i32
      %cond3A_439 = arith.cmpi ne, %convert_element_type3A, %cond3A : i32
      scf.if %cond3A_439 {
        %rem3A_441 = arith.constant 4 : i32
        %rem3A_442 = arith.remsi %add3A_437, %rem3A_441 : i32
        %ge3A = arith.constant 4 : i32
        %ge3A_443 = arith.cmpi sge, %add3A_437, %ge3A : i32
        %convert_element_type3A_444 = arith.extui %ge3A_443 : i1 to i32
        %cond3A_445 = arith.constant 0 : i32
        %cond3A_446 = arith.cmpi ne, %convert_element_type3A_444, %cond3A_445 : i32
        scf.if %cond3A_446 {
          %dma_wait3A_459 = arith.constant 0 : i32
          %dma_wait3A_460 = arith.constant 0 : i32
          %dma_wait3A_461 = arith.constant 0 : i32
          %dma_wait3A_462 = tpu.memref_slice %arg8[%rem3A_442, %dma_wait3A_460, %dma_wait3A_461] : memref<4x32x768xf32, #tpu.memory_space<vmem>> -> memref<1x32x768xf32, #tpu.memory_space<vmem>>
          %dma_wait3A_463 = tpu.memref_squeeze %dma_wait3A_462 : memref<1x32x768xf32, #tpu.memory_space<vmem>> -> memref<32x768xf32, #tpu.memory_space<vmem>>
          %dma_wait3A_464 = arith.constant 0 : i32
          %dma_wait3A_465 = arith.constant 0 : i32
          %dma_wait3A_466 = tpu.memref_slice %arg5[%dma_wait3A_459, %dma_wait3A_464, %dma_wait3A_465] : memref<77x1024x768xf32, #tpu.memory_space<hbm>> -> memref<1x32x768xf32, #tpu.memory_space<hbm>>
          %dma_wait3A_467 = tpu.memref_squeeze %dma_wait3A_466 : memref<1x32x768xf32, #tpu.memory_space<hbm>> -> memref<32x768xf32, #tpu.memory_space<hbm>>
          %dma_wait3A_468 = tpu.memref_slice %arg12[%rem3A_442] : memref<4x!tpu.dma_semaphore, #tpu.memory_space<semaphore_mem>> -> memref<1x!tpu.dma_semaphore, #tpu.memory_space<semaphore_mem>>
          %dma_wait3A_469 = tpu.memref_squeeze %dma_wait3A_468 : memref<1x!tpu.dma_semaphore, #tpu.memory_space<semaphore_mem>> -> memref<!tpu.dma_semaphore, #tpu.memory_space<semaphore_mem>>
          %dma_wait3A_470 = arith.constant 0 : i32
          %dma_wait3A_471 = arith.constant 0 : i32
          %dma_wait3A_472 = tpu.memref_slice %arg5[%dma_wait3A_459, %dma_wait3A_470, %dma_wait3A_471] : memref<77x1024x768xf32, #tpu.memory_space<hbm>> -> memref<1x32x768xf32, #tpu.memory_space<hbm>>
          %dma_wait3A_473 = tpu.memref_squeeze %dma_wait3A_472 : memref<1x32x768xf32, #tpu.memory_space<hbm>> -> memref<32x768xf32, #tpu.memory_space<hbm>>
          %dma_wait3A_474 = arith.constant 0 : i32
          %dma_wait3A_475 = arith.constant 0 : i32
          %dma_wait3A_476 = tpu.memref_slice %arg8[%rem3A_442, %dma_wait3A_474, %dma_wait3A_475] : memref<4x32x768xf32, #tpu.memory_space<vmem>> -> memref<1x32x768xf32, #tpu.memory_space<vmem>>
          %dma_wait3A_477 = tpu.memref_squeeze %dma_wait3A_476 : memref<1x32x768xf32, #tpu.memory_space<vmem>> -> memref<32x768xf32, #tpu.memory_space<vmem>>
          tpu.wait_dma2 semaphore(%dma_wait3A_469 : memref<!tpu.dma_semaphore, #tpu.memory_space<semaphore_mem>>) src(%dma_wait3A_477 : memref<32x768xf32, #tpu.memory_space<vmem>>) dst(%dma_wait3A_473 : memref<32x768xf32, #tpu.memory_space<hbm>>)
        } else {
        }
        %mul3A_447 = arith.constant 32 : i32
        %mul3A_448 = arith.muli %add3A_437, %mul3A_447 : i32
        %dma_start3A_449 = arith.constant 0 : i32
        %dma_start3A_450 = arith.constant 0 : i32
        %dma_start3A_451 = tpu.memref_slice %arg8[%rem3A_442, %dma_start3A_449, %dma_start3A_450] : memref<4x32x768xf32, #tpu.memory_space<vmem>> -> memref<1x32x768xf32, #tpu.memory_space<vmem>>
        %dma_start3A_452 = tpu.memref_squeeze %dma_start3A_451 : memref<1x32x768xf32, #tpu.memory_space<vmem>> -> memref<32x768xf32, #tpu.memory_space<vmem>>
        %dma_start3A_453 = tpu.memref_slice %arg6[%mul3A_448] : memref<2464xi32, #tpu.memory_space<vmem>> -> memref<32xi32, #tpu.memory_space<vmem>>
        %dma_start3A_454 = arith.constant 0 : i32
        %dma_start3A_455 = arith.constant 0 : i32
        %dma_start3A_456 = tpu.memref_slice %arg3[%dma_start3A_454, %dma_start3A_455] : memref<49408x768xf32, #tpu.memory_space<hbm>> -> memref<49408x768xf32, #tpu.memory_space<hbm>>
        %dma_start3A_457 = tpu.memref_slice %arg11[%rem3A_442] : memref<4x!tpu.dma_semaphore, #tpu.memory_space<semaphore_mem>> -> memref<1x!tpu.dma_semaphore, #tpu.memory_space<semaphore_mem>>
        %dma_start3A_458 = tpu.memref_squeeze %dma_start3A_457 : memref<1x!tpu.dma_semaphore, #tpu.memory_space<semaphore_mem>> -> memref<!tpu.dma_semaphore, #tpu.memory_space<semaphore_mem>>
        tpu.enqueue_indirect_dma source(%dma_start3A_456 : memref<49408x768xf32, #tpu.memory_space<hbm>>) target(%dma_start3A_452 : memref<32x768xf32, #tpu.memory_space<vmem>>) offsets(%dma_start3A_453 : memref<32xi32, #tpu.memory_space<vmem>>) semaphore(%dma_start3A_458 : memref<!tpu.dma_semaphore, #tpu.memory_space<semaphore_mem>>)
      } else {
      }
      %scan3A_440 = arith.constant 0 : i32
      scf.yield %scan3A_440 : i32
    }
    %scan3A_62 = arith.constant 77 : i32
    %dma_wait3A_63 = arith.constant 0 : i32
    %dma_wait3A_64 = arith.constant 0 : i32
    %dma_wait3A_65 = arith.constant 0 : i32
    %dma_wait3A_66 = arith.constant 0 : i32
    %dma_wait3A_67 = arith.constant 0 : i32
    %dma_wait3A_68 = tpu.memref_slice %arg8[%dma_wait3A_63, %dma_wait3A_66, %dma_wait3A_67] : memref<4x32x768xf32, #tpu.memory_space<vmem>> -> memref<1x32x768xf32, #tpu.memory_space<vmem>>
    %dma_wait3A_69 = tpu.memref_squeeze %dma_wait3A_68 : memref<1x32x768xf32, #tpu.memory_space<vmem>> -> memref<32x768xf32, #tpu.memory_space<vmem>>
    %dma_wait3A_70 = arith.constant 0 : i32
    %dma_wait3A_71 = arith.constant 0 : i32
    %dma_wait3A_72 = tpu.memref_slice %arg5[%dma_wait3A_64, %dma_wait3A_70, %dma_wait3A_71] : memref<77x1024x768xf32, #tpu.memory_space<hbm>> -> memref<1x32x768xf32, #tpu.memory_space<hbm>>
    %dma_wait3A_73 = tpu.memref_squeeze %dma_wait3A_72 : memref<1x32x768xf32, #tpu.memory_space<hbm>> -> memref<32x768xf32, #tpu.memory_space<hbm>>
    %dma_wait3A_74 = tpu.memref_slice %arg12[%dma_wait3A_65] : memref<4x!tpu.dma_semaphore, #tpu.memory_space<semaphore_mem>> -> memref<1x!tpu.dma_semaphore, #tpu.memory_space<semaphore_mem>>
    %dma_wait3A_75 = tpu.memref_squeeze %dma_wait3A_74 : memref<1x!tpu.dma_semaphore, #tpu.memory_space<semaphore_mem>> -> memref<!tpu.dma_semaphore, #tpu.memory_space<semaphore_mem>>
    %dma_wait3A_76 = arith.constant 0 : i32
    %dma_wait3A_77 = arith.constant 0 : i32
    %dma_wait3A_78 = tpu.memref_slice %arg5[%dma_wait3A_64, %dma_wait3A_76, %dma_wait3A_77] : memref<77x1024x768xf32, #tpu.memory_space<hbm>> -> memref<1x32x768xf32, #tpu.memory_space<hbm>>
    %dma_wait3A_79 = tpu.memref_squeeze %dma_wait3A_78 : memref<1x32x768xf32, #tpu.memory_space<hbm>> -> memref<32x768xf32, #tpu.memory_space<hbm>>
    %dma_wait3A_80 = arith.constant 0 : i32
    %dma_wait3A_81 = arith.constant 0 : i32
    %dma_wait3A_82 = tpu.memref_slice %arg8[%dma_wait3A_63, %dma_wait3A_80, %dma_wait3A_81] : memref<4x32x768xf32, #tpu.memory_space<vmem>> -> memref<1x32x768xf32, #tpu.memory_space<vmem>>
    %dma_wait3A_83 = tpu.memref_squeeze %dma_wait3A_82 : memref<1x32x768xf32, #tpu.memory_space<vmem>> -> memref<32x768xf32, #tpu.memory_space<vmem>>
    tpu.wait_dma2 semaphore(%dma_wait3A_75 : memref<!tpu.dma_semaphore, #tpu.memory_space<semaphore_mem>>) src(%dma_wait3A_83 : memref<32x768xf32, #tpu.memory_space<vmem>>) dst(%dma_wait3A_79 : memref<32x768xf32, #tpu.memory_space<hbm>>)
    %dma_wait3A_84 = arith.constant 1 : i32
    %dma_wait3A_85 = arith.constant 0 : i32
    %dma_wait3A_86 = arith.constant 1 : i32
    %dma_wait3A_87 = arith.constant 0 : i32
    %dma_wait3A_88 = arith.constant 0 : i32
    %dma_wait3A_89 = tpu.memref_slice %arg8[%dma_wait3A_84, %dma_wait3A_87, %dma_wait3A_88] : memref<4x32x768xf32, #tpu.memory_space<vmem>> -> memref<1x32x768xf32, #tpu.memory_space<vmem>>
    %dma_wait3A_90 = tpu.memref_squeeze %dma_wait3A_89 : memref<1x32x768xf32, #tpu.memory_space<vmem>> -> memref<32x768xf32, #tpu.memory_space<vmem>>
    %dma_wait3A_91 = arith.constant 0 : i32
    %dma_wait3A_92 = arith.constant 0 : i32
    %dma_wait3A_93 = tpu.memref_slice %arg5[%dma_wait3A_85, %dma_wait3A_91, %dma_wait3A_92] : memref<77x1024x768xf32, #tpu.memory_space<hbm>> -> memref<1x32x768xf32, #tpu.memory_space<hbm>>
    %dma_wait3A_94 = tpu.memref_squeeze %dma_wait3A_93 : memref<1x32x768xf32, #tpu.memory_space<hbm>> -> memref<32x768xf32, #tpu.memory_space<hbm>>
    %dma_wait3A_95 = tpu.memref_slice %arg12[%dma_wait3A_86] : memref<4x!tpu.dma_semaphore, #tpu.memory_space<semaphore_mem>> -> memref<1x!tpu.dma_semaphore, #tpu.memory_space<semaphore_mem>>
    %dma_wait3A_96 = tpu.memref_squeeze %dma_wait3A_95 : memref<1x!tpu.dma_semaphore, #tpu.memory_space<semaphore_mem>> -> memref<!tpu.dma_semaphore, #tpu.memory_space<semaphore_mem>>
    %dma_wait3A_97 = arith.constant 0 : i32
    %dma_wait3A_98 = arith.constant 0 : i32
    %dma_wait3A_99 = tpu.memref_slice %arg5[%dma_wait3A_85, %dma_wait3A_97, %dma_wait3A_98] : memref<77x1024x768xf32, #tpu.memory_space<hbm>> -> memref<1x32x768xf32, #tpu.memory_space<hbm>>
    %dma_wait3A_100 = tpu.memref_squeeze %dma_wait3A_99 : memref<1x32x768xf32, #tpu.memory_space<hbm>> -> memref<32x768xf32, #tpu.memory_space<hbm>>
    %dma_wait3A_101 = arith.constant 0 : i32
    %dma_wait3A_102 = arith.constant 0 : i32
    %dma_wait3A_103 = tpu.memref_slice %arg8[%dma_wait3A_84, %dma_wait3A_101, %dma_wait3A_102] : memref<4x32x768xf32, #tpu.memory_space<vmem>> -> memref<1x32x768xf32, #tpu.memory_space<vmem>>
    %dma_wait3A_104 = tpu.memref_squeeze %dma_wait3A_103 : memref<1x32x768xf32, #tpu.memory_space<vmem>> -> memref<32x768xf32, #tpu.memory_space<vmem>>
    tpu.wait_dma2 semaphore(%dma_wait3A_96 : memref<!tpu.dma_semaphore, #tpu.memory_space<semaphore_mem>>) src(%dma_wait3A_104 : memref<32x768xf32, #tpu.memory_space<vmem>>) dst(%dma_wait3A_100 : memref<32x768xf32, #tpu.memory_space<hbm>>)
    %dma_wait3A_105 = arith.constant 2 : i32
    %dma_wait3A_106 = arith.constant 0 : i32
    %dma_wait3A_107 = arith.constant 2 : i32
    %dma_wait3A_108 = arith.constant 0 : i32
    %dma_wait3A_109 = arith.constant 0 : i32
    %dma_wait3A_110 = tpu.memref_slice %arg8[%dma_wait3A_105, %dma_wait3A_108, %dma_wait3A_109] : memref<4x32x768xf32, #tpu.memory_space<vmem>> -> memref<1x32x768xf32, #tpu.memory_space<vmem>>
    %dma_wait3A_111 = tpu.memref_squeeze %dma_wait3A_110 : memref<1x32x768xf32, #tpu.memory_space<vmem>> -> memref<32x768xf32, #tpu.memory_space<vmem>>
    %dma_wait3A_112 = arith.constant 0 : i32
    %dma_wait3A_113 = arith.constant 0 : i32
    %dma_wait3A_114 = tpu.memref_slice %arg5[%dma_wait3A_106, %dma_wait3A_112, %dma_wait3A_113] : memref<77x1024x768xf32, #tpu.memory_space<hbm>> -> memref<1x32x768xf32, #tpu.memory_space<hbm>>
    %dma_wait3A_115 = tpu.memref_squeeze %dma_wait3A_114 : memref<1x32x768xf32, #tpu.memory_space<hbm>> -> memref<32x768xf32, #tpu.memory_space<hbm>>
    %dma_wait3A_116 = tpu.memref_slice %arg12[%dma_wait3A_107] : memref<4x!tpu.dma_semaphore, #tpu.memory_space<semaphore_mem>> -> memref<1x!tpu.dma_semaphore, #tpu.memory_space<semaphore_mem>>
    %dma_wait3A_117 = tpu.memref_squeeze %dma_wait3A_116 : memref<1x!tpu.dma_semaphore, #tpu.memory_space<semaphore_mem>> -> memref<!tpu.dma_semaphore, #tpu.memory_space<semaphore_mem>>
    %dma_wait3A_118 = arith.constant 0 : i32
    %dma_wait3A_119 = arith.constant 0 : i32
    %dma_wait3A_120 = tpu.memref_slice %arg5[%dma_wait3A_106, %dma_wait3A_118, %dma_wait3A_119] : memref<77x1024x768xf32, #tpu.memory_space<hbm>> -> memref<1x32x768xf32, #tpu.memory_space<hbm>>
    %dma_wait3A_121 = tpu.memref_squeeze %dma_wait3A_120 : memref<1x32x768xf32, #tpu.memory_space<hbm>> -> memref<32x768xf32, #tpu.memory_space<hbm>>
    %dma_wait3A_122 = arith.constant 0 : i32
    %dma_wait3A_123 = arith.constant 0 : i32
    %dma_wait3A_124 = tpu.memref_slice %arg8[%dma_wait3A_105, %dma_wait3A_122, %dma_wait3A_123] : memref<4x32x768xf32, #tpu.memory_space<vmem>> -> memref<1x32x768xf32, #tpu.memory_space<vmem>>
    %dma_wait3A_125 = tpu.memref_squeeze %dma_wait3A_124 : memref<1x32x768xf32, #tpu.memory_space<vmem>> -> memref<32x768xf32, #tpu.memory_space<vmem>>
    tpu.wait_dma2 semaphore(%dma_wait3A_117 : memref<!tpu.dma_semaphore, #tpu.memory_space<semaphore_mem>>) src(%dma_wait3A_125 : memref<32x768xf32, #tpu.memory_space<vmem>>) dst(%dma_wait3A_121 : memref<32x768xf32, #tpu.memory_space<hbm>>)
    %dma_wait3A_126 = arith.constant 3 : i32
    %dma_wait3A_127 = arith.constant 0 : i32
    %dma_wait3A_128 = arith.constant 3 : i32
    %dma_wait3A_129 = arith.constant 0 : i32
    %dma_wait3A_130 = arith.constant 0 : i32
    %dma_wait3A_131 = tpu.memref_slice %arg8[%dma_wait3A_126, %dma_wait3A_129, %dma_wait3A_130] : memref<4x32x768xf32, #tpu.memory_space<vmem>> -> memref<1x32x768xf32, #tpu.memory_space<vmem>>
    %dma_wait3A_132 = tpu.memref_squeeze %dma_wait3A_131 : memref<1x32x768xf32, #tpu.memory_space<vmem>> -> memref<32x768xf32, #tpu.memory_space<vmem>>
    %dma_wait3A_133 = arith.constant 0 : i32
    %dma_wait3A_134 = arith.constant 0 : i32
    %dma_wait3A_135 = tpu.memref_slice %arg5[%dma_wait3A_127, %dma_wait3A_133, %dma_wait3A_134] : memref<77x1024x768xf32, #tpu.memory_space<hbm>> -> memref<1x32x768xf32, #tpu.memory_space<hbm>>
    %dma_wait3A_136 = tpu.memref_squeeze %dma_wait3A_135 : memref<1x32x768xf32, #tpu.memory_space<hbm>> -> memref<32x768xf32, #tpu.memory_space<hbm>>
    %dma_wait3A_137 = tpu.memref_slice %arg12[%dma_wait3A_128] : memref<4x!tpu.dma_semaphore, #tpu.memory_space<semaphore_mem>> -> memref<1x!tpu.dma_semaphore, #tpu.memory_space<semaphore_mem>>
    %dma_wait3A_138 = tpu.memref_squeeze %dma_wait3A_137 : memref<1x!tpu.dma_semaphore, #tpu.memory_space<semaphore_mem>> -> memref<!tpu.dma_semaphore, #tpu.memory_space<semaphore_mem>>
    %dma_wait3A_139 = arith.constant 0 : i32
    %dma_wait3A_140 = arith.constant 0 : i32
    %dma_wait3A_141 = tpu.memref_slice %arg5[%dma_wait3A_127, %dma_wait3A_139, %dma_wait3A_140] : memref<77x1024x768xf32, #tpu.memory_space<hbm>> -> memref<1x32x768xf32, #tpu.memory_space<hbm>>
    %dma_wait3A_142 = tpu.memref_squeeze %dma_wait3A_141 : memref<1x32x768xf32, #tpu.memory_space<hbm>> -> memref<32x768xf32, #tpu.memory_space<hbm>>
    %dma_wait3A_143 = arith.constant 0 : i32
    %dma_wait3A_144 = arith.constant 0 : i32
    %dma_wait3A_145 = tpu.memref_slice %arg8[%dma_wait3A_126, %dma_wait3A_143, %dma_wait3A_144] : memref<4x32x768xf32, #tpu.memory_space<vmem>> -> memref<1x32x768xf32, #tpu.memory_space<vmem>>
    %dma_wait3A_146 = tpu.memref_squeeze %dma_wait3A_145 : memref<1x32x768xf32, #tpu.memory_space<vmem>> -> memref<32x768xf32, #tpu.memory_space<vmem>>
    tpu.wait_dma2 semaphore(%dma_wait3A_138 : memref<!tpu.dma_semaphore, #tpu.memory_space<semaphore_mem>>) src(%dma_wait3A_146 : memref<32x768xf32, #tpu.memory_space<vmem>>) dst(%dma_wait3A_142 : memref<32x768xf32, #tpu.memory_space<hbm>>)
    return
  }
}

</mosaic_0001>

<sc_bundles>
// kernel: kernel.3.cloned.1.call-start
scs
__scs_entry_jumppad:
0x0: {  	(pc) =	sbr.rel $0x88, $3  }
0x1: {  	(tag) =	ssettag $0x0;
	lr =	simm.s32 $0x1  }
0x2: {  	[smem:$0x3F9E] =	sst lr;
	_ =	strace $0xD0000000  }
0x3: {  	_ = 	snop  }
0x4: {  	_ = 	snop  }
0x5: {  	_ = 	snop  }
0x6: {  	_ = 	snop  }
0x7: {  	_ = 	snop  }
__scs_overlays_trampoline_lowered:
0x8: {  	[smem:$0x3FAD] =	sst s0  }
0x9: {  	[smem:$0x3FAE] =	sst s1  }
0xa: {  	[smem:$0x3FAF] =	sst s2  }
0xb: {  	[smem:$0x3FB0] =	sst s3  }
0xc: {  	[smem:$0x3FB1] =	sst s4  }
0xd: {  	[smem:$0x3FB2] =	sst s5  }
0xe: {  	[smem:$0x3FB3] =	sst s6  }
0xf: {  	[smem:$0x3FB4] =	sst s7  }
0x10: {  	[smem:$0x3FB5] =	sst s8  }
0x11: {  	[smem:$0x3FB6] =	sst s9;
	s0 =	simm.s32 @!p0 $0x0  }
0x12: {  	s1 =	sld [smem:$0x3F9C];
	s0 =	simm.s32 @p0 $0x1  }
0x13: {  	[smem:$0x3FB7] =	sst s0;
	s0 =	simm.s32 @!p1 $0x0  }
0x14: {  	s2 =	sld [smem:$0x3F9B];
	s0 =	simm.s32 @p1 $0x1  }
0x15: {  	[smem:$0x3FB8] =	sst s0;
	s0 =	simm.s32 @!p2 $0x0  }
0x16: {  	s3 =	sld [smem:$0x3FDB];
	s0 =	simm.s32 @p2 $0x1  }
0x17: {  	s4 =	simm.s32 $0x1BF5;
	[smem:$0x3FBA] =	sst s0  }
0x18: {  	s0 =	sld [smem:$0x3F9D];
	_ =	swait.ge [sflag:s4], $0x0  }
0x19: {  	s7 =	sld [smem:$0x3F9E]  }
0x1a: {  	s8 =	sadd.s32 $0xFFFFE003, lr  }
0x1b: {  	s9 =	sadd.s32 $0xFFFFFEF7, lr;
	s5 =	simm.s32 $0xFFFFFFFF;
	p2 =	slt.u32 s8, $0xFFFFF086  }
0x1c: {  	p1 =	slt.u32 s9, $0xF7A;
	s5 =	simm.s32 @!p2 $0x0  }
0x1d: {  	s5 =	simm.s32 @p1 $0x1;
	p0 =	seq.s32 s7, s2  }
0x1e: {  	s7 =	smul.u32 @!p0 $0xF7A, s2;
	p2 =	seq.s32 @!p0 s5, $0x0  }
0x1f: {  	s9 =	smul.u32 $0xF7A, s1;
	s8 =	simm.s32 @!p0 $0x1BF5;
	p2 =	por !p2, p0  }
0x20: {  	[sflag:s8] =	ssyncset.s32 @!p0 $0xFFFFF086;
	s6 =	sadd.s32 @!p0 s3, s7;
	s7 =	simm.s32 @!p0 $0x108  }
0x21: {  	s3 =	sadd.s32 s3, s9;
	s6 =	sadd.s32 @!p0 $0x88, s6;
	s7 =	simm.s32 @p2 $0x1082  }
0x22: {  	[simem:s7], [sflag:s8] =	dma.local @!p0 [hbm:s6], $0xF7A  }
0x23: {  	s9 =	sor.u32 $0xD0000000, s2;
	s6 =	simm.s32 $0x108;
	_ =	swait.ge @!p0 [sflag:s8], $0x0  }
0x24: {  	s3 =	sadd.s32 $0x88, s3;
	s6 =	simm.s32 @!p1 $0x1082;
	[sflag:s4] =	ssyncset.s32 $0xFFFFF086  }
0x25: {  	[simem:s6], [sflag:s4] =	dma.local [hbm:s3], $0xF7A  }
0x26: {  	[smem:$0x3F9E] =	sst s1;
	(tag) =	ssettag s2;
	_ =	strace s9  }
0x27: {  	s1 =	sld [smem:$0x3FAE]  }
0x28: {  	s2 =	sld [smem:$0x3FAF]  }
0x29: {  	s4 =	sld [smem:$0x3FB1]  }
0x2a: {  	p0 =	seq.s32 s5, $0x0;
	s5 =	sld [smem:$0x3FB2]  }
0x2b: {  	s6 =	sld [smem:$0x3FB3]  }
0x2c: {  	s7 =	sld [smem:$0x3FB4]  }
0x2d: {  	s3 =	simm.s32 $0x108;
	s8 =	sld [smem:$0x3FB5]  }
0x2e: {  	s3 =	simm.s32 @!p0 $0x1082;
	s9 =	sld [smem:$0x3FB6]  }
0x2f: {  	lr =	sadd.s32 s0, s3;
	s0 =	sld [smem:$0x3FAD]  }
0x30: {  	s3 =	sld [smem:$0x3FB0]  }
0x31: {  	[smem:$0x3FB9] =	sst s10  }
0x32: {  	s10 =	sld [smem:$0x3FB7];
	_ =	sdelay $0x3  }
0x33: {  	p0 =	seq.s32 s10, $0x1;
	s10 =	sld [smem:$0x3FB9];
	_ =	sdelay $0x3  }
0x34: {  	[smem:$0x3FB9] =	sst s10  }
0x35: {  	s10 =	sld [smem:$0x3FB8];
	_ =	sdelay $0x3  }
0x36: {  	p1 =	seq.s32 s10, $0x1;
	s10 =	sld [smem:$0x3FB9];
	_ =	sdelay $0x3  }
0x37: {  	[smem:$0x3FB9] =	sst s10  }
0x38: {  	s10 =	sld [smem:$0x3FBA]  }
0x39: {  	_ = 	snop;
	(pc) =	sbr.ind lr, $3  }
0x3a: {  	_ = 	snop  }
0x3b: {  	_ = 	snop  }
0x3c: {  	p2 =	seq.s32 s10, $0x1;
	s10 =	sld [smem:$0x3FB9]  }
0x3d: {  	_ =	shalt  }
0x3e: {  	_ =	shalt  }
0x3f: {  	_ =	shalt  }
0x40: {  	_ =	shalt  }
0x41: {  	_ =	shalt  }
0x42: {  	_ =	shalt  }
0x43: {  	_ =	shalt  }
0x44: {  	_ =	shalt  }
0x45: {  	_ =	shalt  }
0x46: {  	_ =	shalt  }
0x47: {  	_ =	shalt  }
0x48: {  	_ =	shalt  }
0x49: {  	_ =	shalt  }
0x4a: {  	_ =	shalt  }
0x4b: {  	_ =	shalt  }
0x4c: {  	_ =	shalt  }
0x4d: {  	_ =	shalt  }
0x4e: {  	_ =	shalt  }
0x4f: {  	_ =	shalt  }
0x50: {  	_ =	shalt  }
0x51: {  	_ =	shalt  }
0x52: {  	_ =	shalt  }
0x53: {  	_ =	shalt  }
0x54: {  	_ =	shalt  }
0x55: {  	_ =	shalt  }
0x56: {  	_ =	shalt  }
0x57: {  	_ =	shalt  }
0x58: {  	_ =	shalt  }
0x59: {  	_ =	shalt  }
0x5a: {  	_ =	shalt  }
0x5b: {  	_ =	shalt  }
0x5c: {  	_ =	shalt  }
0x5d: {  	_ =	shalt  }
0x5e: {  	_ =	shalt  }
0x5f: {  	_ =	shalt  }
0x60: {  	_ =	shalt  }
0x61: {  	_ =	shalt  }
0x62: {  	_ =	shalt  }
0x63: {  	_ =	shalt  }
0x64: {  	_ =	shalt  }
0x65: {  	_ =	shalt  }
0x66: {  	_ =	shalt  }
0x67: {  	_ =	shalt  }
0x68: {  	_ =	shalt  }
0x69: {  	_ =	shalt  }
0x6a: {  	_ =	shalt  }
0x6b: {  	_ =	shalt  }
0x6c: {  	_ =	shalt  }
0x6d: {  	_ =	shalt  }
0x6e: {  	_ =	shalt  }
0x6f: {  	_ =	shalt  }
0x70: {  	_ =	shalt  }
0x71: {  	_ =	shalt  }
0x72: {  	_ =	shalt  }
0x73: {  	_ =	shalt  }
0x74: {  	_ =	shalt  }
0x75: {  	_ =	shalt  }
0x76: {  	_ =	shalt  }
0x77: {  	_ =	shalt  }
0x78: {  	_ =	shalt  }
0x79: {  	_ =	shalt  }
0x7a: {  	_ =	shalt  }
0x7b: {  	_ =	shalt  }
0x7c: {  	_ =	shalt  }
0x7d: {  	_ =	shalt  }
0x7e: {  	_ =	shalt  }
0x7f: {  	_ =	shalt  }
0x80: {  	_ =	shalt  }
0x81: {  	_ =	shalt  }
0x82: {  	_ =	shalt  }
0x83: {  	_ =	shalt  }
0x84: {  	_ =	shalt  }
0x85: {  	_ =	shalt  }
0x86: {  	_ =	shalt  }
0x87: {  	_ =	shalt  }
.Lfunc_end0:
.L_simem_size_0:
called_computation_lowered:
.L_overlay_start_0:
0x88: {  	s2 =	sld [smem:$0x3FD9]  }
0x89: {  	s3 =	sld [smem:$0x3FFE];
	_ =	sdelay $0x1  }
0x8a: {  	s1 =	srdreg.scid  }
0x8b: {  	s0 =	sand.u32 $0x1, s1  }
0x8c: {  	s17 =	sshll.u32 s0, $0xA;
	s2 =	sadd.s32 s3, s2  }
0x8d: {  	s2 =	sadd.s32 s2, s17  }
0x8e: {  	[smem:$0x3FC5] =	sst s2  }
0x8f: {  	_ = 	snop  }
0x90: {  	s2 =	sld [smem:$0x3FC8]  }
0x91: {  	s18 =	sld [smem:$0x3FD0];
	(tm) =	ssettm $0x1  }
0x92: {  	s4 =	sld [smem:$0x3FFB];
	_ =	sdelay $0x3  }
0x93: {  	_ =	strace s4  }
0x94: {  	s4 =	sld [smem:$0x3FFC];
	_ =	sdelay $0x3  }
0x95: {  	_ =	strace s4  }
0x96: {  	s4 =	sld [smem:$0x3FFD];
	_ =	sdelay $0x3  }
0x97: {  	_ =	strace s4  }
0x98: {  	_ =	strace $0x8FFFFFFF  }
0x99: {  	s19 =	sld [smem:$0x3FDB];
	_ =	sdelay $0x1  }
0x9a: {  	s5 =	simm.s32 $_scs_section_size  }
0x9b: {  	s6 =	simm.s32 $_size__tile_overlayer_lowered;
	s7 =	simm.s32 $_tile_overlayer_lowered  }
0x9c: {  	s22 =	simm.s32 $0x1BFF;
	s21 =	sshll.u32 s7, $0x1;
	s4 =	sadd.s32 s5, s19  }
0x9d: {  	s8 =	simm.s32 $0x0;
	s20 =	sshll.u32 s6, $0x1;
	s6 =	sadd.s32 s21, s4  }
0x9e: {  	[timem:s8], [sflag:s22] =	dma.local [hbm:s6], s20  }
0x9f: {  	_ =	swait.ge [sflag:s22], s20  }
0xa0: {  	s5 =	ssub.s32 $0x0, s20;
	[sflag:s22] =	ssyncset.done $0x0  }
0xa1: {  	[sflag:s22] =	ssyncadd.s32 s5;
	_ =	sdelay $0x1  }
0xa2: {  	s23 =	simm.s32 $0x1B8B  }
0xa3: {  	_ =	swait.ge [sflag:s23], $0x1  }
0xa4: {  	[sflag:s23] =	ssyncset.done $0x0  }
0xa5: {  	s25 =	simm.s32 $0x1B8E;
	s24 =	sld [smem:$0x3FFE];
	[sflag:s23] =	ssyncadd.s32 $0xFFFFFFFF  }
0xa6: {  	s26 =	simm.s32 $execute0_lowered;
	[smem:$0x3FD2] =	sst s25  }
0xa7: {  	s6 =	sshll.u32 s26, $0x1;
	_ =	strace $0x80000046;
	[dreg:$0x1] =	wrdreg $0xFFFFFFFF  }
0xa8: {  	s28 =	simm.s32 $_size_execute0_lowered;
	s4 =	sadd.s32 s4, s6;
	[dreg:$0x0] =	wrdreg $0x0  }
0xa9: {  	s6 =	sshll.u32 s28, $0x1;
	[dreg:$0x2] =	wrdreg s4  }
0xaa: {  	[dreg:$0x3] =	wrdreg s6  }
0xab: {  	[dreg:$0x4] =	wrdreg $0xC0  }
0xac: {  	_ =	task [dreg:s8], $0x5FFFF  }
0xad: {  	[dreg:$0x1] =	wrdreg $0xFFFFFFFF  }
0xae: {  	[dreg:$0x0] =	wrdreg $0x60  }
0xaf: {  	[dreg:$0x2] =	wrdreg s24  }
0xb0: {  	[dreg:$0x3] =	wrdreg s2  }
0xb1: {  	[dreg:$0x4] =	wrdreg s18  }
0xb2: {  	[dreg:$0x5] =	wrdreg $0x9  }
0xb3: {  	_ =	task.clear_ibuf [dreg:s8], $0x6FFFF;
	_ =	strace $0x90000046  }
0xb4: {  	s29 =	simm.s32 $0x9;
	_ =	strace $0x80000048  }
0xb5: {  	_ =	swait.ge [sflag:s29], $0x1  }
0xb6: {  	[sflag:s29] =	ssyncadd.s32 $0xFFFFFFFF  }
0xb7: {  	_ =	strace $0x90000048  }
0xb8: {  	_ =	sfence  }
0xb9: {  	s30 =	sld [smem:$0x0];
	_ =	sdelay $0x2  }
0xba: {  	s31 =	sshll.u32 s1, $0xD;
	s1 =	sshrl.u32 s1, $0x2  }
0xbb: {  	s3 =	sand.u32 $0x4000, s31;
	s1 =	sadd.s32 s1, s30  }
0xbc: {  	s0 =	sor.u32 s3, s0;
	s1 =	sshll.u32 s1, $0x11  }
0xbd: {  	s0 =	sor.u32 s1, s0  }
0xbe: {  	s0 =	sadd.s32 $0x8F2B, s0  }
0xbf: {  	[sflag:s0] =	ssyncadd.remote.s32 $0x1  }
0xc0: {  	_ =	sfence.sel $0xFFFF  }
0xc1: {  	[dreg:$0x0] =	wrdreg $0xFFFFFFFF;
	(pc) =	sbr.abs _section_cstart, $3  }
0xc2: {  	[dreg:$0x1] =	wrdreg $0xFFFFFFFF  }
0xc3: {  	_ =	task.clear_ibuf [dreg:s8], $0x2FFFF;
	_ =	strace $0x9FFFFFFF  }
0xc4: {  	(tm) =	ssettm $0x7FFFFFFF  }
0xc5: {  	_ =	shalt  }
tec
execute0_lowered:
.L_overlay_start_1:
0x0: {  	(tag) =	ssettag $0x1  }
0x1: {  	s0 =	rddreg [dreg:$0x0];
	s1 =	srdreg.scid  }
0x2: {  	s3 =	stileid.u32;
	s2 =	rddreg [dreg:$0x1];
	s13 =	simm.s32 $0x1  }
0x3: {  	s14 =	simm.s32 $0x2;
	s20 =	simm.s32 $0x7;
	s21 =	simm.s32 $0x8  }
0x4: {  	s22 =	simm.s32 $0x9;
	s23 =	simm.s32 $0xA;
	s24 =	simm.s32 $0x0  }
0x5: {  	s1 =	sand.u32 $0x1, s1;
	s4 =	sshll.u32 s3, $0x1;
	s3 =	rddreg [dreg:$0x2]  }
0x6: {  	s9 =	sadd.s32 $0x100, s2;
	s10 =	sadd.s32 $0x200, s2;
	s6 =	sor.u32 s1, s4  }
0x7: {  	s4 =	simm.s32 $0x0;
	s1 =	ssub.s32 $0x2, s1;
	s5 =	smul.u32 $0x9A0, s6  }
0x8: {  	[smem:$0x7FF] =	sst s4;
	s6 =	smul.u32 $0x300, s6;
	s31 =	sshrl.u32 s1, $0x1  }
0x9: {  	v2 =	vlaneseq.u32;
	_ =	strace $0x80000047;
	s1 =	ssub.s32 s1, s31;
	s7 =	sshrl.u32 s5, $0x3  }
0xa: {  	vm0 =	vmmov $0xffff;
	v1 =	vshrl.u32 v2, $0x3;
	s11 =	smax.u32 s1, $0x1;
	s7 =	sadd.s32 s7, s0;
	s0 =	sadd.s32 s6, s0  }
0xb: {  	v0 =	vand.u32 $0x7, v2;
	v2 =	vor.u32 $0x8, v2;
	v1 =	vmul.u32 $0x8, v1;
	s6 =	sshrl.u32 s5, $0xA;
	s7 =	sadd.s32 $0x600, s7;
	s8 =	sadd.s32 $0x2E00, s0  }
.LBB2_1:
0xc: {  	[tilespmem:s4], [sflag:$0x1] =	stream.linear.gather [hbm4b:s7+s4], $0x9A0, $0x38;
	[tilespmem:$0x1A200] =	vst v63  }
0xd: {  	s0 =	simm.s32 $0xA00  }
0xe: {  	[tilespmem:s0], [sflag:$0x2] =	stream.linear.gather [hbm4b:s8+s4], $0x1800, $0x38;
	[tilespmem:$0x1A200] =	vst v63  }
0xf: {  	_ =	swait.ge [sflag:s13], $0x9A0  }
0x10: {  	[sflag:s13] =	ssyncset.done $0x0  }
0x11: {  	[sflag:s13] =	ssyncadd.s32 $0xFFFFF660  }
0x12: {  	_ =	swait.ge [sflag:s14], $0x1800  }
0x13: {  	[sflag:s14] =	ssyncset.done $0x0  }
0x14: {  	[sflag:s14] =	ssyncadd.s32 $0xFFFFE800  }
0x15: {  	v3 =	vld [tilespmem:$0x0];
	_ =	sdelay $0x4  }
0x16: {  	v4 =	vshrl.u32 v3, $0x3  }
0x17: {  	v4 =	vmul.u32 $0x30, v4  }
0x18: {  	v3 =	vand.u32 $0x7, v3  }
0x19: {  	v3 =	vor.u32 v3, v4  }
0x1a: {  	v4 =	vperm.xlane v3, v0;
	_ =	sdelay $0x1  }
0x1b: {  	v4 =	vadd.s32 v1, v4;
	_ =	sdelay $0x3  }
0x1c: {  	s15 =	simm.s32 $0x2200;
	v3 =	vperm.xlane v3, v2  }
0x1d: {  	[tilespmem:s15], [sflag:$0x3] =	stream.indirect_vreg.gather [hbm4b:s2+s4], $0x80, v4, vm0, $0xb8;
	[tilespmem:$0x1A200] =	vst v63  }
0x1e: {  	s16 =	simm.s32 $0x2A00;
	v3 =	vadd.s32 v1, v3  }
0x1f: {  	[tilespmem:s16], [sflag:$0x3] =	stream.indirect_vreg.gather [hbm4b:s9+s4], $0x80, v4, vm0, $0xb8;
	[tilespmem:$0x1A200] =	vst v63  }
0x20: {  	s17 =	simm.s32 $0x3200  }
0x21: {  	[tilespmem:s17], [sflag:$0x3] =	stream.indirect_vreg.gather [hbm4b:s10+s4], $0x80, v4, vm0, $0xb8;
	[tilespmem:$0x1A200] =	vst v63  }
0x22: {  	s18 =	simm.s32 $0x3A00  }
0x23: {  	[tilespmem:s18], [sflag:$0x3] =	stream.indirect_vreg.gather [hbm4b:s2+s4], $0x80, v3, vm0, $0xb8;
	[tilespmem:$0x1A200] =	vst v63  }
0x24: {  	s19 =	simm.s32 $0x4200  }
0x25: {  	[tilespmem:s19], [sflag:$0x3] =	stream.indirect_vreg.gather [hbm4b:s9+s4], $0x80, v3, vm0, $0xb8;
	[tilespmem:$0x1A200] =	vst v63  }
0x26: {  	s25 =	simm.s32 $0x4A00  }
0x27: {  	[tilespmem:s25], [sflag:$0x3] =	stream.indirect_vreg.gather [hbm4b:s10+s4], $0x80, v3, vm0, $0xb8;
	[tilespmem:$0x1A200] =	vst v63  }
0x28: {  	v3 =	vld [tilespmem:$0x10];
	_ =	sdelay $0x4  }
0x29: {  	v61 =	vshrl.u32 v3, $0x3  }
0x2a: {  	v4 =	vmul.u32 $0x30, v61  }
0x2b: {  	v3 =	vand.u32 $0x7, v3  }
0x2c: {  	v3 =	vor.u32 v3, v4  }
0x2d: {  	v4 =	vperm.xlane v3, v0;
	_ =	sdelay $0x1  }
0x2e: {  	v4 =	vadd.s32 v1, v4;
	_ =	sdelay $0x3  }
0x2f: {  	s26 =	simm.s32 $0x5200;
	v3 =	vperm.xlane v3, v2  }
0x30: {  	[tilespmem:s26], [sflag:$0x3] =	stream.indirect_vreg.gather [hbm4b:s2+s4], $0x80, v4, vm0, $0xb8;
	[tilespmem:$0x1A200] =	vst v63  }
0x31: {  	s28 =	simm.s32 $0x5A00;
	v3 =	vadd.s32 v1, v3  }
0x32: {  	[tilespmem:s28], [sflag:$0x3] =	stream.indirect_vreg.gather [hbm4b:s9+s4], $0x80, v4, vm0, $0xb8;
	[tilespmem:$0x1A200] =	vst v63  }
0x33: {  	s29 =	simm.s32 $0x6200  }
0x34: {  	[tilespmem:s29], [sflag:$0x3] =	stream.indirect_vreg.gather [hbm4b:s10+s4], $0x80, v4, vm0, $0xb8;
	[tilespmem:$0x1A200] =	vst v63  }
0x35: {  	s30 =	simm.s32 $0x6A00  }
0x36: {  	[tilespmem:s30], [sflag:$0x3] =	stream.indirect_vreg.gather [hbm4b:s2+s4], $0x80, v3, vm0, $0xb8;
	[tilespmem:$0x1A200] =	vst v63  }
0x37: {  	s31 =	simm.s32 $0x7200  }
0x38: {  	[tilespmem:s31], [sflag:$0x3] =	stream.indirect_vreg.gather [hbm4b:s9+s4], $0x80, v3, vm0, $0xb8;
	[tilespmem:$0x1A200] =	vst v63  }
0x39: {  	s1 =	simm.s32 $0x7A00  }
0x3a: {  	[tilespmem:s1], [sflag:$0x3] =	stream.indirect_vreg.gather [hbm4b:s10+s4], $0x80, v3, vm0, $0xb8;
	[tilespmem:$0x1A200] =	vst v63  }
0x3b: {  	v3 =	vld [tilespmem:$0x20];
	_ =	sdelay $0x4  }
0x3c: {  	v62 =	vshrl.u32 v3, $0x3  }
0x3d: {  	v4 =	vmul.u32 $0x30, v62  }
0x3e: {  	v3 =	vand.u32 $0x7, v3  }
0x3f: {  	v3 =	vor.u32 v3, v4  }
0x40: {  	v4 =	vperm.xlane v3, v0;
	_ =	sdelay $0x1  }
0x41: {  	v4 =	vadd.s32 v1, v4;
	_ =	sdelay $0x3  }
0x42: {  	s12 =	simm.s32 $0x8200;
	v3 =	vperm.xlane v3, v2  }
0x43: {  	[tilespmem:s12], [sflag:$0x4] =	stream.indirect_vreg.gather [hbm4b:s2+s4], $0x80, v4, vm0, $0xb8;
	[tilespmem:$0x1A200] =	vst v63  }
0x44: {  	s15 =	simm.s32 $0x8A00;
	v3 =	vadd.s32 v1, v3  }
0x45: {  	[tilespmem:s15], [sflag:$0x4] =	stream.indirect_vreg.gather [hbm4b:s9+s4], $0x80, v4, vm0, $0xb8;
	[tilespmem:$0x1A200] =	vst v63  }
0x46: {  	s16 =	simm.s32 $0x9200  }
0x47: {  	[tilespmem:s16], [sflag:$0x4] =	stream.indirect_vreg.gather [hbm4b:s10+s4], $0x80, v4, vm0, $0xb8;
	[tilespmem:$0x1A200] =	vst v63  }
0x48: {  	s17 =	simm.s32 $0x9A00  }
0x49: {  	[tilespmem:s17], [sflag:$0x4] =	stream.indirect_vreg.gather [hbm4b:s2+s4], $0x80, v3, vm0, $0xb8;
	[tilespmem:$0x1A200] =	vst v63  }
0x4a: {  	s18 =	simm.s32 $0xA200  }
0x4b: {  	[tilespmem:s18], [sflag:$0x4] =	stream.indirect_vreg.gather [hbm4b:s9+s4], $0x80, v3, vm0, $0xb8;
	[tilespmem:$0x1A200] =	vst v63  }
0x4c: {  	s19 =	simm.s32 $0xAA00  }
0x4d: {  	[tilespmem:s19], [sflag:$0x4] =	stream.indirect_vreg.gather [hbm4b:s10+s4], $0x80, v3, vm0, $0xb8;
	[tilespmem:$0x1A200] =	vst v63  }
0x4e: {  	v3 =	vld [tilespmem:$0x30];
	_ =	sdelay $0x4  }
0x4f: {  	v63 =	vshrl.u32 v3, $0x3  }
0x50: {  	v4 =	vmul.u32 $0x30, v63  }
0x51: {  	v3 =	vand.u32 $0x7, v3  }
0x52: {  	v3 =	vor.u32 v3, v4  }
0x53: {  	v4 =	vperm.xlane v3, v0;
	_ =	sdelay $0x1  }
0x54: {  	v4 =	vadd.s32 v1, v4;
	_ =	sdelay $0x3  }
0x55: {  	s25 =	simm.s32 $0xB200;
	v3 =	vperm.xlane v3, v2  }
0x56: {  	[tilespmem:s25], [sflag:$0x4] =	stream.indirect_vreg.gather [hbm4b:s2+s4], $0x80, v4, vm0, $0xb8;
	[tilespmem:$0x1A200] =	vst v63  }
0x57: {  	s26 =	simm.s32 $0xBA00;
	v3 =	vadd.s32 v1, v3  }
0x58: {  	[tilespmem:s26], [sflag:$0x4] =	stream.indirect_vreg.gather [hbm4b:s9+s4], $0x80, v4, vm0, $0xb8;
	[tilespmem:$0x1A200] =	vst v63  }
0x59: {  	s28 =	simm.s32 $0xC200  }
0x5a: {  	[tilespmem:s28], [sflag:$0x4] =	stream.indirect_vreg.gather [hbm4b:s10+s4], $0x80, v4, vm0, $0xb8;
	[tilespmem:$0x1A200] =	vst v63  }
0x5b: {  	s29 =	simm.s32 $0xCA00  }
0x5c: {  	[tilespmem:s29], [sflag:$0x4] =	stream.indirect_vreg.gather [hbm4b:s2+s4], $0x80, v3, vm0, $0xb8;
	[tilespmem:$0x1A200] =	vst v63  }
0x5d: {  	s30 =	simm.s32 $0xD200  }
0x5e: {  	[tilespmem:s30], [sflag:$0x4] =	stream.indirect_vreg.gather [hbm4b:s9+s4], $0x80, v3, vm0, $0xb8;
	[tilespmem:$0x1A200] =	vst v63  }
0x5f: {  	s31 =	simm.s32 $0xDA00;
	s25 =	simm.s32 $0x0  }
0x60: {  	[tilespmem:s31], [sflag:$0x4] =	stream.indirect_vreg.gather [hbm4b:s10+s4], $0x80, v3, vm0, $0xb8;
	[tilespmem:$0x1A200] =	vst v63  }
.LBB2_2:
0x61: {  	s0 =	sshll.u32 s25, $0x5  }
0x62: {  	s29 =	sadd.s32 s5, s0  }
0x63: {  	s28 =	sshrl.u32 s29, $0xA  }
0x64: {  	s18 =	ssub.s32 s28, s6  }
0x65: {  	s26 =	sand.u32 $0x3, s25;
	s1 =	sshrl.u32 s18, $0x3  }
0x66: {  	s12 =	sadd.s32 $0x3, s26;
	s15 =	smul.u32 $0x6000, s1  }
0x67: {  	_ =	swait.ge [sflag:s12], $0x6000;
	s0 =	sshll.u32 s18, $0x7  }
0x68: {  	[sflag:s12] =	ssyncset.done $0x0;
	s1 =	sand.u32 $0x380, s0;
	s0 =	sshra.s32 s15, $0x2  }
0x69: {  	[sflag:s12] =	ssyncadd.s32 $0xFFFFA000;
	s12 =	sor.u32 s1, s0  }
0x6a: {  	v3 =	vld [tilespmem:s12+$0xA00]  }
0x6b: {  	v4 =	vld [tilespmem:s12+$0xA10]  }
0x6c: {  	s16 =	simm.s32 $0x0;
	s19 =	smul.u32 $0x18000, s26;
	v5 =	vld [tilespmem:s12+$0xA20]  }
0x6d: {  	s17 =	smul.u32 $0x6000, s16;
	v8 =	vld [tilespmem:s12+$0xA70]  }
0x6e: {  	s31 =	sshrl.u32 s19, $0x2;
	v6 =	vld [tilespmem:s12+$0xA30]  }
0x6f: {  	s16 =	simm.s32 $0x0;
	s30 =	sadd.s32 $0x2200, s31;
	s18 =	sshra.s32 s17, $0x2;
	v7 =	vld [tilespmem:s12+$0xA40]  }
0x70: {  	s19 =	sand.u32 $0x300, s16;
	s15 =	sadd.s32 s18, s30;
	v9 =	vld [tilespmem:s12+$0xA50]  }
0x71: {  	s15 =	sadd.s32 s19, s15;
	v10 =	vld [tilespmem:s12+$0xA60]  }
0x72: {  	[tilespmem:s15+$0xF0] =	vst.add.f32.msk $0xffff, v8  }
0x73: {  	[tilespmem:s15+$0x0] =	vst.add.f32.msk $0xffff, v3  }
0x74: {  	[tilespmem:s15+$0x10] =	vst.add.f32.msk $0xffff, v4  }
0x75: {  	[tilespmem:s15+$0x20] =	vst.add.f32.msk $0xffff, v5  }
0x76: {  	[tilespmem:s15+$0x30] =	vst.add.f32.msk $0xffff, v6  }
0x77: {  	[tilespmem:s15+$0x40] =	vst.add.f32.msk $0xffff, v7  }
0x78: {  	[tilespmem:s15+$0x50] =	vst.add.f32.msk $0xffff, v9  }
0x79: {  	[tilespmem:s15+$0x60] =	vst.add.f32.msk $0xffff, v10  }
0x7a: {  	s17 =	simm.s32 $0x0;
	s12 =	sadd.s32 $0xA00, s12;
	[tilespmem:s15+$0x70] =	vst.add.f32.msk $0xffff, v8  }
.LBB2_3:
0x7b: {  	s17 =	sadd.s32 $0x2, s17;
	[tilespmem:s15+$0x80] =	vst.add.f32.msk $0xffff, v3  }
0x7c: {  	s18 =	sshrl.u32 s17, $0x3;
	p0 =	slt.u32 s17, $0x1E;
	[tilespmem:s15+$0x90] =	vst.add.f32.msk $0xffff, v4  }
0x7d: {  	s18 =	smul.u32 $0x6000, s18;
	[tilespmem:s15+$0xA0] =	vst.add.f32.msk $0xffff, v5  }
0x7e: {  	[tilespmem:s15+$0xB0] =	vst.add.f32.msk $0xffff, v6  }
0x7f: {  	s16 =	sadd.s32 $0x100, s16;
	s18 =	sshra.s32 s18, $0x2;
	[tilespmem:s15+$0xC0] =	vst.add.f32.msk $0xffff, v7  }
0x80: {  	s19 =	sand.u32 $0x300, s16;
	s18 =	sadd.s32 s18, s30;
	[tilespmem:s15+$0xD0] =	vst.add.f32.msk $0xffff, v9  }
0x81: {  	[tilespmem:s15+$0xE0] =	vst.add.f32.msk $0xffff, v10;
	s15 =	sadd.s32 s19, s18  }
0x82: {  	[tilespmem:s15+$0xF0] =	vst.add.f32.msk $0xffff, v8  }
0x83: {  	[tilespmem:s15+$0x0] =	vst.add.f32.msk $0xffff, v3  }
0x84: {  	[tilespmem:s15+$0x10] =	vst.add.f32.msk $0xffff, v4  }
0x85: {  	[tilespmem:s15+$0x20] =	vst.add.f32.msk $0xffff, v5  }
.Ltmp0:
0x86: {  	[tilespmem:s15+$0x30] =	vst.add.f32.msk $0xffff, v6;
	(pc) =	sbr.rel @p0 .LBB2_3-.Ltmp0, $4  }
0x87: {  	[tilespmem:s15+$0x40] =	vst.add.f32.msk $0xffff, v7  }
0x88: {  	[tilespmem:s15+$0x50] =	vst.add.f32.msk $0xffff, v9  }
0x89: {  	[tilespmem:s15+$0x60] =	vst.add.f32.msk $0xffff, v10  }
0x8a: {  	[tilespmem:s15+$0x70] =	vst.add.f32.msk $0xffff, v8  }
0x8b: {  	[tilespmem:s15+$0x80] =	vst.add.f32.msk $0xffff, v3  }
0x8c: {  	[tilespmem:s15+$0x90] =	vst.add.f32.msk $0xffff, v4  }
0x8d: {  	[tilespmem:s15+$0xA0] =	vst.add.f32.msk $0xffff, v5  }
0x8e: {  	[tilespmem:s15+$0xB0] =	vst.add.f32.msk $0xffff, v6  }
0x8f: {  	[tilespmem:s15+$0xC0] =	vst.add.f32.msk $0xffff, v7  }
0x90: {  	[tilespmem:s15+$0xD0] =	vst.add.f32.msk $0xffff, v9  }
0x91: {  	[tilespmem:s15+$0xE0] =	vst.add.f32.msk $0xffff, v10  }
0x92: {  	v3 =	vld [tilespmem:s12+$0x400]  }
0x93: {  	v4 =	vld [tilespmem:s12+$0x410]  }
0x94: {  	s19 =	simm.s32 $0x0;
	v5 =	vld [tilespmem:s12+$0x420]  }
0x95: {  	v9 =	vld [tilespmem:s12+$0x470];
	s16 =	smul.u32 $0x6000, s19  }
0x96: {  	v6 =	vld [tilespmem:s12+$0x430]  }
0x97: {  	s15 =	simm.s32 $0x0;
	v7 =	vld [tilespmem:s12+$0x440];
	s16 =	sshra.s32 s16, $0x2  }
0x98: {  	v8 =	vld [tilespmem:s12+$0x450];
	s17 =	sand.u32 $0x300, s15;
	s16 =	sadd.s32 s16, s30  }
0x99: {  	v10 =	vld [tilespmem:s12+$0x460];
	s12 =	sadd.s32 s17, s16  }
0x9a: {  	[tilespmem:s12+$0x4F0] =	vst.add.f32.msk $0xffff, v9  }
0x9b: {  	[tilespmem:s12+$0x400] =	vst.add.f32.msk $0xffff, v3  }
0x9c: {  	[tilespmem:s12+$0x410] =	vst.add.f32.msk $0xffff, v4  }
0x9d: {  	[tilespmem:s12+$0x420] =	vst.add.f32.msk $0xffff, v5  }
0x9e: {  	[tilespmem:s12+$0x430] =	vst.add.f32.msk $0xffff, v6  }
0x9f: {  	[tilespmem:s12+$0x440] =	vst.add.f32.msk $0xffff, v7  }
0xa0: {  	[tilespmem:s12+$0x450] =	vst.add.f32.msk $0xffff, v8  }
0xa1: {  	[tilespmem:s12+$0x460] =	vst.add.f32.msk $0xffff, v10  }
0xa2: {  	s16 =	simm.s32 $0x0;
	[tilespmem:s12+$0x470] =	vst.add.f32.msk $0xffff, v9  }
.LBB2_5:
0xa3: {  	s16 =	sadd.s32 $0x2, s16;
	[tilespmem:s12+$0x480] =	vst.add.f32.msk $0xffff, v3  }
0xa4: {  	s17 =	sshrl.u32 s16, $0x3;
	p0 =	slt.u32 s16, $0x1E;
	[tilespmem:s12+$0x490] =	vst.add.f32.msk $0xffff, v4  }
0xa5: {  	s17 =	smul.u32 $0x6000, s17;
	[tilespmem:s12+$0x4A0] =	vst.add.f32.msk $0xffff, v5  }
0xa6: {  	[tilespmem:s12+$0x4B0] =	vst.add.f32.msk $0xffff, v6  }
0xa7: {  	s15 =	sadd.s32 $0x100, s15;
	s17 =	sshra.s32 s17, $0x2;
	[tilespmem:s12+$0x4C0] =	vst.add.f32.msk $0xffff, v7  }
0xa8: {  	s18 =	sand.u32 $0x300, s15;
	s17 =	sadd.s32 s17, s30;
	[tilespmem:s12+$0x4D0] =	vst.add.f32.msk $0xffff, v8  }
0xa9: {  	[tilespmem:s12+$0x4E0] =	vst.add.f32.msk $0xffff, v10;
	s12 =	sadd.s32 s18, s17  }
0xaa: {  	[tilespmem:s12+$0x4F0] =	vst.add.f32.msk $0xffff, v9  }
0xab: {  	[tilespmem:s12+$0x400] =	vst.add.f32.msk $0xffff, v3  }
0xac: {  	[tilespmem:s12+$0x410] =	vst.add.f32.msk $0xffff, v4  }
0xad: {  	[tilespmem:s12+$0x420] =	vst.add.f32.msk $0xffff, v5  }
.Ltmp1:
0xae: {  	[tilespmem:s12+$0x430] =	vst.add.f32.msk $0xffff, v6;
	(pc) =	sbr.rel @p0 .LBB2_5-.Ltmp1, $4  }
0xaf: {  	[tilespmem:s12+$0x440] =	vst.add.f32.msk $0xffff, v7  }
0xb0: {  	[tilespmem:s12+$0x450] =	vst.add.f32.msk $0xffff, v8  }
0xb1: {  	[tilespmem:s12+$0x460] =	vst.add.f32.msk $0xffff, v10  }
0xb2: {  	[tilespmem:s12+$0x470] =	vst.add.f32.msk $0xffff, v9  }
0xb3: {  	[tilespmem:s12+$0x480] =	vst.add.f32.msk $0xffff, v3  }
0xb4: {  	[tilespmem:s12+$0x490] =	vst.add.f32.msk $0xffff, v4  }
0xb5: {  	[tilespmem:s12+$0x4A0] =	vst.add.f32.msk $0xffff, v5  }
0xb6: {  	[tilespmem:s12+$0x4B0] =	vst.add.f32.msk $0xffff, v6  }
0xb7: {  	[tilespmem:s12+$0x4C0] =	vst.add.f32.msk $0xffff, v7  }
0xb8: {  	[tilespmem:s12+$0x4D0] =	vst.add.f32.msk $0xffff, v8  }
0xb9: {  	[tilespmem:s12+$0x4E0] =	vst.add.f32.msk $0xffff, v10;
	s1 =	sadd.s32 s1, s0  }
0xba: {  	v3 =	vld [tilespmem:s1+$0x1200]  }
0xbb: {  	v4 =	vld [tilespmem:s1+$0x1210]  }
0xbc: {  	s18 =	simm.s32 $0x0;
	v5 =	vld [tilespmem:s1+$0x1220]  }
0xbd: {  	v8 =	vld [tilespmem:s1+$0x1270];
	s19 =	smul.u32 $0x6000, s18  }
0xbe: {  	v6 =	vld [tilespmem:s1+$0x1230]  }
0xbf: {  	s0 =	sadd.s32 $0x2A00, s31;
	s15 =	simm.s32 $0x0;
	v7 =	vld [tilespmem:s1+$0x1240];
	s12 =	sshra.s32 s19, $0x2  }
0xc0: {  	v9 =	vld [tilespmem:s1+$0x1250];
	s16 =	sand.u32 $0x300, s15;
	s12 =	sadd.s32 s12, s0  }
0xc1: {  	v10 =	vld [tilespmem:s1+$0x1260];
	s12 =	sadd.s32 s16, s12  }
0xc2: {  	[tilespmem:s12+$0xF0] =	vst.add.f32.msk $0xffff, v8  }
0xc3: {  	[tilespmem:s12+$0x0] =	vst.add.f32.msk $0xffff, v3  }
0xc4: {  	[tilespmem:s12+$0x10] =	vst.add.f32.msk $0xffff, v4  }
0xc5: {  	[tilespmem:s12+$0x20] =	vst.add.f32.msk $0xffff, v5  }
0xc6: {  	[tilespmem:s12+$0x30] =	vst.add.f32.msk $0xffff, v6  }
0xc7: {  	[tilespmem:s12+$0x40] =	vst.add.f32.msk $0xffff, v7  }
0xc8: {  	[tilespmem:s12+$0x50] =	vst.add.f32.msk $0xffff, v9  }
0xc9: {  	[tilespmem:s12+$0x60] =	vst.add.f32.msk $0xffff, v10  }
0xca: {  	s16 =	simm.s32 $0x0;
	[tilespmem:s12+$0x70] =	vst.add.f32.msk $0xffff, v8  }
.LBB2_7:
0xcb: {  	s16 =	sadd.s32 $0x2, s16;
	[tilespmem:s12+$0x80] =	vst.add.f32.msk $0xffff, v3  }
0xcc: {  	s17 =	sshrl.u32 s16, $0x3;
	p0 =	slt.u32 s16, $0x1E;
	[tilespmem:s12+$0x90] =	vst.add.f32.msk $0xffff, v4  }
0xcd: {  	s17 =	smul.u32 $0x6000, s17;
	[tilespmem:s12+$0xA0] =	vst.add.f32.msk $0xffff, v5  }
0xce: {  	[tilespmem:s12+$0xB0] =	vst.add.f32.msk $0xffff, v6  }
0xcf: {  	s15 =	sadd.s32 $0x100, s15;
	s17 =	sshra.s32 s17, $0x2;
	[tilespmem:s12+$0xC0] =	vst.add.f32.msk $0xffff, v7  }
0xd0: {  	s18 =	sand.u32 $0x300, s15;
	s17 =	sadd.s32 s17, s0;
	[tilespmem:s12+$0xD0] =	vst.add.f32.msk $0xffff, v9  }
0xd1: {  	[tilespmem:s12+$0xE0] =	vst.add.f32.msk $0xffff, v10;
	s12 =	sadd.s32 s18, s17  }
0xd2: {  	[tilespmem:s12+$0xF0] =	vst.add.f32.msk $0xffff, v8  }
0xd3: {  	[tilespmem:s12+$0x0] =	vst.add.f32.msk $0xffff, v3  }
0xd4: {  	[tilespmem:s12+$0x10] =	vst.add.f32.msk $0xffff, v4  }
0xd5: {  	[tilespmem:s12+$0x20] =	vst.add.f32.msk $0xffff, v5  }
.Ltmp2:
0xd6: {  	[tilespmem:s12+$0x30] =	vst.add.f32.msk $0xffff, v6;
	(pc) =	sbr.rel @p0 .LBB2_7-.Ltmp2, $4  }
0xd7: {  	[tilespmem:s12+$0x40] =	vst.add.f32.msk $0xffff, v7  }
0xd8: {  	[tilespmem:s12+$0x50] =	vst.add.f32.msk $0xffff, v9  }
0xd9: {  	[tilespmem:s12+$0x60] =	vst.add.f32.msk $0xffff, v10  }
0xda: {  	[tilespmem:s12+$0x70] =	vst.add.f32.msk $0xffff, v8  }
0xdb: {  	[tilespmem:s12+$0x80] =	vst.add.f32.msk $0xffff, v3  }
0xdc: {  	[tilespmem:s12+$0x90] =	vst.add.f32.msk $0xffff, v4  }
0xdd: {  	[tilespmem:s12+$0xA0] =	vst.add.f32.msk $0xffff, v5  }
0xde: {  	[tilespmem:s12+$0xB0] =	vst.add.f32.msk $0xffff, v6  }
0xdf: {  	[tilespmem:s12+$0xC0] =	vst.add.f32.msk $0xffff, v7  }
0xe0: {  	[tilespmem:s12+$0xD0] =	vst.add.f32.msk $0xffff, v9  }
0xe1: {  	[tilespmem:s12+$0xE0] =	vst.add.f32.msk $0xffff, v10  }
0xe2: {  	v3 =	vld [tilespmem:s1+$0x1600]  }
0xe3: {  	v4 =	vld [tilespmem:s1+$0x1610]  }
0xe4: {  	s0 =	simm.s32 $0x0;
	v5 =	vld [tilespmem:s1+$0x1620]  }
0xe5: {  	v8 =	vld [tilespmem:s1+$0x1670];
	s19 =	smul.u32 $0x6000, s0  }
0xe6: {  	v6 =	vld [tilespmem:s1+$0x1630]  }
0xe7: {  	s15 =	simm.s32 $0x0;
	v7 =	vld [tilespmem:s1+$0x1640];
	s0 =	sadd.s32 $0x2E00, s31;
	s12 =	sshra.s32 s19, $0x2  }
0xe8: {  	v9 =	vld [tilespmem:s1+$0x1650];
	s16 =	sand.u32 $0x300, s15;
	s12 =	sadd.s32 s12, s0  }
0xe9: {  	v10 =	vld [tilespmem:s1+$0x1660];
	s12 =	sadd.s32 s16, s12  }
0xea: {  	[tilespmem:s12+$0xF0] =	vst.add.f32.msk $0xffff, v8  }
0xeb: {  	[tilespmem:s12+$0x0] =	vst.add.f32.msk $0xffff, v3  }
0xec: {  	[tilespmem:s12+$0x10] =	vst.add.f32.msk $0xffff, v4  }
0xed: {  	[tilespmem:s12+$0x20] =	vst.add.f32.msk $0xffff, v5  }
0xee: {  	[tilespmem:s12+$0x30] =	vst.add.f32.msk $0xffff, v6  }
0xef: {  	[tilespmem:s12+$0x40] =	vst.add.f32.msk $0xffff, v7  }
0xf0: {  	[tilespmem:s12+$0x50] =	vst.add.f32.msk $0xffff, v9  }
0xf1: {  	[tilespmem:s12+$0x60] =	vst.add.f32.msk $0xffff, v10  }
0xf2: {  	s16 =	simm.s32 $0x0;
	[tilespmem:s12+$0x70] =	vst.add.f32.msk $0xffff, v8  }
.LBB2_9:
0xf3: {  	s16 =	sadd.s32 $0x2, s16;
	[tilespmem:s12+$0x80] =	vst.add.f32.msk $0xffff, v3  }
0xf4: {  	s17 =	sshrl.u32 s16, $0x3;
	p0 =	slt.u32 s16, $0x1E;
	[tilespmem:s12+$0x90] =	vst.add.f32.msk $0xffff, v4  }
0xf5: {  	s17 =	smul.u32 $0x6000, s17;
	[tilespmem:s12+$0xA0] =	vst.add.f32.msk $0xffff, v5  }
0xf6: {  	[tilespmem:s12+$0xB0] =	vst.add.f32.msk $0xffff, v6  }
0xf7: {  	s15 =	sadd.s32 $0x100, s15;
	s17 =	sshra.s32 s17, $0x2;
	[tilespmem:s12+$0xC0] =	vst.add.f32.msk $0xffff, v7  }
0xf8: {  	s18 =	sand.u32 $0x300, s15;
	s17 =	sadd.s32 s17, s0;
	[tilespmem:s12+$0xD0] =	vst.add.f32.msk $0xffff, v9  }
0xf9: {  	[tilespmem:s12+$0xE0] =	vst.add.f32.msk $0xffff, v10;
	s12 =	sadd.s32 s18, s17  }
0xfa: {  	[tilespmem:s12+$0xF0] =	vst.add.f32.msk $0xffff, v8  }
0xfb: {  	[tilespmem:s12+$0x0] =	vst.add.f32.msk $0xffff, v3  }
0xfc: {  	[tilespmem:s12+$0x10] =	vst.add.f32.msk $0xffff, v4  }
0xfd: {  	[tilespmem:s12+$0x20] =	vst.add.f32.msk $0xffff, v5  }
.Ltmp3:
0xfe: {  	[tilespmem:s12+$0x30] =	vst.add.f32.msk $0xffff, v6;
	(pc) =	sbr.rel @p0 .LBB2_9-.Ltmp3, $4  }
0xff: {  	[tilespmem:s12+$0x40] =	vst.add.f32.msk $0xffff, v7  }
0x100: {  	[tilespmem:s12+$0x50] =	vst.add.f32.msk $0xffff, v9  }
0x101: {  	[tilespmem:s12+$0x60] =	vst.add.f32.msk $0xffff, v10  }
0x102: {  	[tilespmem:s12+$0x70] =	vst.add.f32.msk $0xffff, v8  }
0x103: {  	[tilespmem:s12+$0x80] =	vst.add.f32.msk $0xffff, v3  }
0x104: {  	[tilespmem:s12+$0x90] =	vst.add.f32.msk $0xffff, v4  }
0x105: {  	[tilespmem:s12+$0xA0] =	vst.add.f32.msk $0xffff, v5  }
0x106: {  	[tilespmem:s12+$0xB0] =	vst.add.f32.msk $0xffff, v6  }
0x107: {  	[tilespmem:s12+$0xC0] =	vst.add.f32.msk $0xffff, v7  }
0x108: {  	[tilespmem:s12+$0xD0] =	vst.add.f32.msk $0xffff, v9  }
0x109: {  	[tilespmem:s12+$0xE0] =	vst.add.f32.msk $0xffff, v10  }
0x10a: {  	v3 =	vld [tilespmem:s1+$0x1A00]  }
0x10b: {  	v4 =	vld [tilespmem:s1+$0x1A10]  }
0x10c: {  	s0 =	simm.s32 $0x0;
	v5 =	vld [tilespmem:s1+$0x1A20]  }
0x10d: {  	v8 =	vld [tilespmem:s1+$0x1A70];
	s19 =	smul.u32 $0x6000, s0  }
0x10e: {  	v6 =	vld [tilespmem:s1+$0x1A30]  }
0x10f: {  	s15 =	simm.s32 $0x0;
	v7 =	vld [tilespmem:s1+$0x1A40];
	s0 =	sadd.s32 $0x3200, s31;
	s12 =	sshra.s32 s19, $0x2  }
0x110: {  	v9 =	vld [tilespmem:s1+$0x1A50];
	s16 =	sand.u32 $0x300, s15;
	s12 =	sadd.s32 s12, s0  }
0x111: {  	v10 =	vld [tilespmem:s1+$0x1A60];
	s12 =	sadd.s32 s16, s12  }
0x112: {  	[tilespmem:s12+$0xF0] =	vst.add.f32.msk $0xffff, v8  }
0x113: {  	[tilespmem:s12+$0x0] =	vst.add.f32.msk $0xffff, v3  }
0x114: {  	[tilespmem:s12+$0x10] =	vst.add.f32.msk $0xffff, v4  }
0x115: {  	[tilespmem:s12+$0x20] =	vst.add.f32.msk $0xffff, v5  }
0x116: {  	[tilespmem:s12+$0x30] =	vst.add.f32.msk $0xffff, v6  }
0x117: {  	[tilespmem:s12+$0x40] =	vst.add.f32.msk $0xffff, v7  }
0x118: {  	[tilespmem:s12+$0x50] =	vst.add.f32.msk $0xffff, v9  }
0x119: {  	[tilespmem:s12+$0x60] =	vst.add.f32.msk $0xffff, v10  }
0x11a: {  	s16 =	simm.s32 $0x0;
	[tilespmem:s12+$0x70] =	vst.add.f32.msk $0xffff, v8  }
.LBB2_11:
0x11b: {  	s16 =	sadd.s32 $0x2, s16;
	[tilespmem:s12+$0x80] =	vst.add.f32.msk $0xffff, v3  }
0x11c: {  	s17 =	sshrl.u32 s16, $0x3;
	p0 =	slt.u32 s16, $0x1E;
	[tilespmem:s12+$0x90] =	vst.add.f32.msk $0xffff, v4  }
0x11d: {  	s17 =	smul.u32 $0x6000, s17;
	[tilespmem:s12+$0xA0] =	vst.add.f32.msk $0xffff, v5  }
0x11e: {  	[tilespmem:s12+$0xB0] =	vst.add.f32.msk $0xffff, v6  }
0x11f: {  	s15 =	sadd.s32 $0x100, s15;
	s17 =	sshra.s32 s17, $0x2;
	[tilespmem:s12+$0xC0] =	vst.add.f32.msk $0xffff, v7  }
0x120: {  	s18 =	sand.u32 $0x300, s15;
	s17 =	sadd.s32 s17, s0;
	[tilespmem:s12+$0xD0] =	vst.add.f32.msk $0xffff, v9  }
0x121: {  	[tilespmem:s12+$0xE0] =	vst.add.f32.msk $0xffff, v10;
	s12 =	sadd.s32 s18, s17  }
0x122: {  	[tilespmem:s12+$0xF0] =	vst.add.f32.msk $0xffff, v8  }
0x123: {  	[tilespmem:s12+$0x0] =	vst.add.f32.msk $0xffff, v3  }
0x124: {  	[tilespmem:s12+$0x10] =	vst.add.f32.msk $0xffff, v4  }
0x125: {  	[tilespmem:s12+$0x20] =	vst.add.f32.msk $0xffff, v5  }
.Ltmp4:
0x126: {  	[tilespmem:s12+$0x30] =	vst.add.f32.msk $0xffff, v6;
	(pc) =	sbr.rel @p0 .LBB2_11-.Ltmp4, $4  }
0x127: {  	[tilespmem:s12+$0x40] =	vst.add.f32.msk $0xffff, v7  }
0x128: {  	[tilespmem:s12+$0x50] =	vst.add.f32.msk $0xffff, v9  }
0x129: {  	[tilespmem:s12+$0x60] =	vst.add.f32.msk $0xffff, v10  }
0x12a: {  	[tilespmem:s12+$0x70] =	vst.add.f32.msk $0xffff, v8  }
0x12b: {  	[tilespmem:s12+$0x80] =	vst.add.f32.msk $0xffff, v3  }
0x12c: {  	[tilespmem:s12+$0x90] =	vst.add.f32.msk $0xffff, v4  }
0x12d: {  	[tilespmem:s12+$0xA0] =	vst.add.f32.msk $0xffff, v5  }
0x12e: {  	[tilespmem:s12+$0xB0] =	vst.add.f32.msk $0xffff, v6  }
0x12f: {  	[tilespmem:s12+$0xC0] =	vst.add.f32.msk $0xffff, v7  }
0x130: {  	[tilespmem:s12+$0xD0] =	vst.add.f32.msk $0xffff, v9  }
0x131: {  	[tilespmem:s12+$0xE0] =	vst.add.f32.msk $0xffff, v10  }
0x132: {  	v7 =	vld [tilespmem:s1+$0x1E00]  }
0x133: {  	v4 =	vld [tilespmem:s1+$0x1E10]  }
0x134: {  	s0 =	simm.s32 $0x0;
	v3 =	vld [tilespmem:s1+$0x1E20]  }
0x135: {  	v10 =	vld [tilespmem:s1+$0x1E70];
	s0 =	smul.u32 $0x6000, s0  }
0x136: {  	v5 =	vld [tilespmem:s1+$0x1E30]  }
0x137: {  	s12 =	sadd.s32 $0x3600, s31;
	s15 =	simm.s32 $0x0;
	v6 =	vld [tilespmem:s1+$0x1E40];
	s0 =	sshra.s32 s0, $0x2  }
0x138: {  	v8 =	vld [tilespmem:s1+$0x1E50];
	s16 =	sand.u32 $0x300, s15;
	s0 =	sadd.s32 s0, s12  }
0x139: {  	v9 =	vld [tilespmem:s1+$0x1E60];
	s0 =	sadd.s32 s16, s0  }
0x13a: {  	[tilespmem:s0+$0xF0] =	vst.add.f32.msk $0xffff, v10  }
0x13b: {  	[tilespmem:s0+$0x0] =	vst.add.f32.msk $0xffff, v7  }
0x13c: {  	[tilespmem:s0+$0x10] =	vst.add.f32.msk $0xffff, v4  }
0x13d: {  	[tilespmem:s0+$0x20] =	vst.add.f32.msk $0xffff, v3  }
0x13e: {  	[tilespmem:s0+$0x30] =	vst.add.f32.msk $0xffff, v5  }
0x13f: {  	[tilespmem:s0+$0x40] =	vst.add.f32.msk $0xffff, v6  }
0x140: {  	[tilespmem:s0+$0x50] =	vst.add.f32.msk $0xffff, v8  }
0x141: {  	[tilespmem:s0+$0x60] =	vst.add.f32.msk $0xffff, v9  }
0x142: {  	s1 =	simm.s32 $0x0;
	[tilespmem:s0+$0x70] =	vst.add.f32.msk $0xffff, v10  }
.LBB2_13:
0x143: {  	s1 =	sadd.s32 $0x2, s1;
	[tilespmem:s0+$0x80] =	vst.add.f32.msk $0xffff, v7  }
0x144: {  	s16 =	sshrl.u32 s1, $0x3;
	p0 =	slt.u32 s1, $0x1E;
	[tilespmem:s0+$0x90] =	vst.add.f32.msk $0xffff, v4  }
0x145: {  	s16 =	smul.u32 $0x6000, s16;
	[tilespmem:s0+$0xA0] =	vst.add.f32.msk $0xffff, v3  }
0x146: {  	[tilespmem:s0+$0xB0] =	vst.add.f32.msk $0xffff, v5  }
0x147: {  	s15 =	sadd.s32 $0x100, s15;
	s16 =	sshra.s32 s16, $0x2;
	[tilespmem:s0+$0xC0] =	vst.add.f32.msk $0xffff, v6  }
0x148: {  	s17 =	sand.u32 $0x300, s15;
	s16 =	sadd.s32 s16, s12;
	[tilespmem:s0+$0xD0] =	vst.add.f32.msk $0xffff, v8  }
0x149: {  	[tilespmem:s0+$0xE0] =	vst.add.f32.msk $0xffff, v9;
	s0 =	sadd.s32 s17, s16  }
0x14a: {  	[tilespmem:s0+$0xF0] =	vst.add.f32.msk $0xffff, v10  }
0x14b: {  	[tilespmem:s0+$0x0] =	vst.add.f32.msk $0xffff, v7  }
0x14c: {  	[tilespmem:s0+$0x10] =	vst.add.f32.msk $0xffff, v4  }
0x14d: {  	[tilespmem:s0+$0x20] =	vst.add.f32.msk $0xffff, v3  }
.Ltmp5:
0x14e: {  	[tilespmem:s0+$0x30] =	vst.add.f32.msk $0xffff, v5;
	(pc) =	sbr.rel @p0 .LBB2_13-.Ltmp5, $4  }
0x14f: {  	[tilespmem:s0+$0x40] =	vst.add.f32.msk $0xffff, v6  }
0x150: {  	[tilespmem:s0+$0x50] =	vst.add.f32.msk $0xffff, v8  }
0x151: {  	[tilespmem:s0+$0x60] =	vst.add.f32.msk $0xffff, v9  }
0x152: {  	[tilespmem:s0+$0x70] =	vst.add.f32.msk $0xffff, v10  }
0x153: {  	[tilespmem:s0+$0x80] =	vst.add.f32.msk $0xffff, v7;
	s1 =	sshrl.u32 s29, $0x3  }
0x154: {  	[tilespmem:s0+$0x90] =	vst.add.f32.msk $0xffff, v4;
	s12 =	smul.u32 $0xC0000, s28;
	s1 =	sand.u32 $0x7C, s1  }
0x155: {  	[tilespmem:s0+$0xA0] =	vst.add.f32.msk $0xffff, v3;
	s1 =	smul.u32 $0x1800, s1  }
0x156: {  	[tilespmem:s0+$0xB0] =	vst.add.f32.msk $0xffff, v5  }
0x157: {  	[tilespmem:s0+$0xC0] =	vst.add.f32.msk $0xffff, v6;
	s1 =	sadd.s32 s12, s1  }
0x158: {  	[tilespmem:s0+$0xD0] =	vst.add.f32.msk $0xffff, v8;
	s31 =	sadd.s32 $0x7, s26;
	p0 =	sgt.u32 s25, $0x4A;
	s1 =	sshrl.u32 s1, $0x3  }
0x159: {  	[tilespmem:s0+$0xE0] =	vst.add.f32.msk $0xffff, v9;
	s0 =	sadd.s32 $0x2, s25;
	p1 =	slt.u32 @!p0 s25, $0x2;
	s1 =	sadd.s32 s3, s1  }
0x15a: {  	[hbm4b:s1+s4] =	stream.linear.scatter [tilespmem:s30], [sflag:s31], $0x6000, $0x38;
	[tilespmem:$0x1A200] =	vst v63  }
0x15b: {  	p1 =	por p1, p0;
	s1 =	sand.u32 @!p0 $0x3, s0  }
0x15c: {  	s12 =	sadd.s32 @!p1 $0x7, s1  }
0x15d: {  	_ =	swait.ge @!p1 [sflag:s12], $0x6000  }
0x15e: {  	s0 =	sshll.u32 @!p0 s0, $0x5;
	[sflag:s12] =	ssyncset.done @!p1 $0x0  }
0x15f: {  	s0 =	sand.u32 @!p0 $0x3FFFFFE0, s0;
	[sflag:s12] =	ssyncadd.s32 @!p1 $0xFFFFA000  }
0x160: {  	v3 =	vld @!p0 [tilespmem:s0+$0x0];
	_ =	sdelay $0x4  }
0x161: {  	v4 =	vshrl.u32 @!p0 v3, $0x3  }
0x162: {  	v4 =	vmul.u32 @!p0 $0x30, v4  }
0x163: {  	v5 =	vlaneseq.u32 @!p0;
	v3 =	vand.u32 @!p0 $0x7, v3  }
0x164: {  	v6 =	vshrl.u32 @!p0 v5, $0x3;
	v3 =	vor.u32 @!p0 v3, v4;
	v4 =	vand.u32 @!p0 $0x7, v5  }
0x165: {  	v6 =	vmul.u32 @!p0 $0x8, v6;
	v7 =	vperm.xlane @!p0 v3, v4;
	_ =	sdelay $0x1  }
0x166: {  	v7 =	vadd.s32 @!p0 v6, v7  }
0x167: {  	s12 =	smul.u32 @!p0 $0x18000, s1;
	_ =	sdelay $0x1  }
0x168: {  	s12 =	sshrl.u32 @!p0 s12, $0x2;
	v5 =	vor.u32 @!p0 $0x8, v5  }
0x169: {  	vm1 =	vmmov @!p0 $0xffff;
	s16 =	simm.s32 @!p0 $0x0;
	s1 =	sadd.s32 @!p0 $0x3, s1;
	s15 =	sadd.s32 @!p0 $0x2200, s12;
	v3 =	vperm.xlane @!p0 v3, v5  }
0x16a: {  	[tilespmem:s15], [sflag:s1] =	stream.indirect_vreg.gather @!p0 [hbm4b:s2+s16], $0x80, v7, vm1, $0xb8;
	[tilespmem:$0x1A200] =	vst v63  }
0x16b: {  	v3 =	vadd.s32 @!p0 v6, v3;
	s15 =	sadd.s32 @!p0 $0x2A00, s12  }
0x16c: {  	[tilespmem:s15], [sflag:s1] =	stream.indirect_vreg.gather @!p0 [hbm4b:s9+s16], $0x80, v7, vm1, $0xb8;
	[tilespmem:$0x1A200] =	vst v63  }
0x16d: {  	s15 =	sadd.s32 @!p0 $0x3200, s12  }
0x16e: {  	[tilespmem:s15], [sflag:s1] =	stream.indirect_vreg.gather @!p0 [hbm4b:s10+s16], $0x80, v7, vm1, $0xb8;
	[tilespmem:$0x1A200] =	vst v63  }
0x16f: {  	s15 =	sadd.s32 @!p0 $0x3A00, s12  }
0x170: {  	[tilespmem:s15], [sflag:s1] =	stream.indirect_vreg.gather @!p0 [hbm4b:s2+s16], $0x80, v3, vm1, $0xb8;
	[tilespmem:$0x1A200] =	vst v63  }
0x171: {  	s15 =	sadd.s32 @!p0 $0x4200, s12  }
0x172: {  	[tilespmem:s15], [sflag:s1] =	stream.indirect_vreg.gather @!p0 [hbm4b:s9+s16], $0x80, v3, vm1, $0xb8;
	[tilespmem:$0x1A200] =	vst v63  }
0x173: {  	s15 =	sadd.s32 @!p0 $0x4A00, s12  }
0x174: {  	[tilespmem:s15], [sflag:s1] =	stream.indirect_vreg.gather @!p0 [hbm4b:s10+s16], $0x80, v3, vm1, $0xb8;
	[tilespmem:$0x1A200] =	vst v63  }
0x175: {  	v3 =	vld @!p0 [tilespmem:s0+$0x10];
	_ =	sdelay $0x4  }
0x176: {  	v7 =	vshrl.u32 @!p0 v3, $0x3  }
0x177: {  	v7 =	vmul.u32 @!p0 $0x30, v7  }
0x178: {  	v3 =	vand.u32 @!p0 $0x7, v3  }
0x179: {  	v3 =	vor.u32 @!p0 v3, v7  }
0x17a: {  	v4 =	vperm.xlane @!p0 v3, v4;
	_ =	sdelay $0x1  }
0x17b: {  	v4 =	vadd.s32 @!p0 v6, v4;
	_ =	sdelay $0x3  }
0x17c: {  	s0 =	sadd.s32 @!p0 $0x5200, s12;
	v3 =	vperm.xlane @!p0 v3, v5  }
0x17d: {  	[tilespmem:s0], [sflag:s1] =	stream.indirect_vreg.gather @!p0 [hbm4b:s2+s16], $0x80, v4, vm1, $0xb8;
	[tilespmem:$0x1A200] =	vst v63  }
0x17e: {  	v3 =	vadd.s32 @!p0 v6, v3;
	s0 =	sadd.s32 @!p0 $0x5A00, s12  }
0x17f: {  	[tilespmem:s0], [sflag:s1] =	stream.indirect_vreg.gather @!p0 [hbm4b:s9+s16], $0x80, v4, vm1, $0xb8;
	[tilespmem:$0x1A200] =	vst v63  }
0x180: {  	s0 =	sadd.s32 @!p0 $0x6200, s12  }
0x181: {  	[tilespmem:s0], [sflag:s1] =	stream.indirect_vreg.gather @!p0 [hbm4b:s10+s16], $0x80, v4, vm1, $0xb8;
	[tilespmem:$0x1A200] =	vst v63  }
0x182: {  	s0 =	sadd.s32 @!p0 $0x6A00, s12  }
0x183: {  	[tilespmem:s0], [sflag:s1] =	stream.indirect_vreg.gather @!p0 [hbm4b:s2+s16], $0x80, v3, vm1, $0xb8;
	[tilespmem:$0x1A200] =	vst v63  }
0x184: {  	s0 =	sadd.s32 @!p0 $0x7200, s12  }
0x185: {  	[tilespmem:s0], [sflag:s1] =	stream.indirect_vreg.gather @!p0 [hbm4b:s9+s16], $0x80, v3, vm1, $0xb8;
	[tilespmem:$0x1A200] =	vst v63  }
0x186: {  	s25 =	sadd.s32 $0x1, s25;
	s0 =	sadd.s32 @!p0 $0x7A00, s12  }
0x187: {  	[tilespmem:s0], [sflag:s1] =	stream.indirect_vreg.gather @!p0 [hbm4b:s10+s16], $0x80, v3, vm1, $0xb8;
	[tilespmem:$0x1A200] =	vst v63  }
0x188: {  	p0 =	sne.s32 s25, $0x4D  }
.Ltmp6:
0x189: {  	_ = 	snop;
	(pc) =	sbr.rel @p0 .LBB2_2-.Ltmp6, $1  }
0x18a: {  	_ =	sdelay $0x3  }
0x18b: {  	_ =	swait.ge [sflag:s20], $0x6000  }
0x18c: {  	[sflag:s20] =	ssyncset.done $0x0  }
0x18d: {  	[sflag:s20] =	ssyncadd.s32 $0xFFFFA000  }
0x18e: {  	_ =	swait.ge [sflag:s21], $0x6000  }
0x18f: {  	[sflag:s21] =	ssyncset.done $0x0  }
0x190: {  	s24 =	sadd.s32 $0x1, s24;
	[sflag:s21] =	ssyncadd.s32 $0xFFFFA000  }
0x191: {  	p0 =	sne.s32 s24, s11;
	_ =	swait.ge [sflag:s22], $0x6000  }
.Ltmp7:
0x192: {  	[sflag:s22] =	ssyncset.done $0x0;
	(pc) =	sbr.rel @p0 .LBB2_1-.Ltmp7, $4  }
0x193: {  	[sflag:s22] =	ssyncadd.s32 $0xFFFFA000  }
0x194: {  	_ =	swait.ge [sflag:s23], $0x6000  }
0x195: {  	[sflag:s23] =	ssyncset.done $0x0  }
0x196: {  	[sflag:s23] =	ssyncadd.s32 $0xFFFFA000  }
0x197: {  	_ =	sfence.sel $0x180000  }
0x198: {  	[bflag:$0x0] =	sbarrier.arrive $0xFFFF  }
0x199: {  	_ =	strace $0x90000047  }
0x19a: {  	s0 =	stileid.u32;
	[bflag:$0x2] =	sbarrier.arrive $0xFFFF  }
0x19b: {  	p0 =	sne.s32 s0, $0x0;
	s0 =	rddreg [dreg:$0x3]  }
0x19c: {  	s0 =	sadd.s32 @!p0 $0x100000, s0  }
0x19d: {  	[sflag:s0] =	ssyncadd.tile.s32 @!p0 $0x1;
	_ =	shalt  }
.Lfunc_end2:
_tile_overlayer_lowered:
.L_overlay_start_2:
0x19e: {  	(tag) =	ssettag $0x2  }
0x19f: {  	s0 =	rddreg [dreg:$0x0];
	s2 =	stileid.u32  }
0x1a0: {  	s1 =	rddreg [dreg:$0x1];
	p0 =	sne.s32 s2, $0x0  }
0x1a1: {  	s3 =	rddreg [dreg:$0x2];
	[bflag:$0x3] =	sbarrier.arrive $0xFFFF;
	s2 =	simm.s32 @!p0 $0x1C0B  }
0x1a2: {  	[timem:s3], [sflag:s2] =	dma.local @!p0 [hbm:s0], s1  }
0x1a3: {  	s0 =	simm.s32 @!p0 $0xB  }
0x1a4: {  	_ =	swait.ge @!p0 [sflag:s0], s1  }
0x1a5: {  	s1 =	ssub.s32 @!p0 $0x0, s1;
	[sflag:s0] =	ssyncset.done @!p0 $0x0  }
0x1a6: {  	[sflag:s0] =	ssyncadd.s32 @!p0 s1  }
0x1a7: {  	[bflag:$0x3] =	sbarrier.arrive $0xFFFF  }
0x1a8: {  	_ =	shalt  }

</sc_bundles>
